<compile_context>
chip_gen: v7x
topology: tpu7x:2x2x1
jax: 0.10.2.dev20260603
libtpu: 0.0.44.dev20260713+nightly
codegen_flags: <defaults>
</compile_context>

<pallas_src>
import functools

import jax
import jax.numpy as jnp
from jax import lax
from jax.experimental import pallas as pl
from jax.experimental.pallas import tpu as pltpu
from jax.experimental.pallas import tpu_sc as plsc

B = 256
F = 256
C = 8192
P = 4
KC = 1024
IB = 32

NC = 2
NS = 16


def _main_body(x_ref, f2_ref, pt_ref, pred_ref, dst_ref, idx1_ref,
               rmax_ref, ridx_ref):
    k = pl.program_id(0)
    xv = x_ref[...]
    f2 = f2_ref[...]
    ones_row = jnp.ones((1, F), jnp.float32)
    nds = []
    for p in range(P):
        ptp = pt_ref[:, p, :]
        cf = lax.dot_general(xv, ptp, (((1,), (1,)), ((), ())),
                             preferred_element_type=jnp.float32)
        c2row = lax.dot_general(ones_row, ptp * ptp, (((1,), (1,)), ((), ())),
                                preferred_element_type=jnp.float32)
        rst = f2 - 2.0 * cf + c2row
        nds.append(-rst)
    m01 = jnp.maximum(nds[0], nds[1])
    m23 = jnp.maximum(nds[2], nds[3])
    dstb = jnp.maximum(m01, m23)
    pred_ref[...] = jax.nn.sigmoid(dstb)
    dst_ref[...] = dstb
    rowmax = jnp.max(dstb, axis=1, keepdims=True)
    cols = lax.broadcasted_iota(jnp.int32, dstb.shape, 1) + k * KC
    bidx = jnp.min(jnp.where(dstb == rowmax, cols, jnp.int32(2 ** 30)),
                   axis=1, keepdims=True)

    @pl.when(k == 0)
    def _():
        rmax_ref[...] = rowmax
        ridx_ref[...] = bidx

    @pl.when(k > 0)
    def _():
        better = rowmax > rmax_ref[...]
        ridx_ref[...] = jnp.where(better, bidx, ridx_ref[...])
        rmax_ref[...] = jnp.where(better, rowmax, rmax_ref[...])

    idx1_ref[...] = ridx_ref[...]


def _main_call(x, f2, prototypes):
    return pl.pallas_call(
        _main_body,
        grid=(C // KC,),
        in_specs=[
            pl.BlockSpec((B, F), lambda k: (0, 0)),
            pl.BlockSpec((B, 1), lambda k: (0, 0)),
            pl.BlockSpec((KC, P, F), lambda k: (k, 0, 0)),
        ],
        out_specs=[
            pl.BlockSpec((B, KC), lambda k: (0, k)),
            pl.BlockSpec((B, KC), lambda k: (0, k)),
            pl.BlockSpec((B, 1), lambda k: (0, 0)),
        ],
        out_shape=[
            jax.ShapeDtypeStruct((B, C), jnp.float32),
            jax.ShapeDtypeStruct((B, C), jnp.float32),
            jax.ShapeDtypeStruct((B, 1), jnp.int32),
        ],
        scratch_shapes=[
            pltpu.VMEM((B, 1), jnp.float32),
            pltpu.VMEM((B, 1), jnp.int32),
        ],
    )(x, f2, prototypes)


def _psel_body(idx1_hbm, pt_hbm, out_hbm, jv_ref, slab_ref, sem):
    wid = lax.axis_index("s") * NC + lax.axis_index("c")
    base = (wid // 2) * 16
    phalf = (wid % 2) * 2
    pltpu.sync_copy(idx1_hbm.at[pl.ds(base, 16)], jv_ref)
    pltpu.async_copy(pt_hbm.at[jv_ref], slab_ref, sem).wait()
    for p in (0, 1):
        pp = phalf + p
        pltpu.sync_copy(slab_ref.at[:, pp],
                        out_hbm.at[pl.ds(pp * B + base, 16)])


@functools.cache
def _psel_call():
    return functools.partial(
        pl.kernel,
        mesh=plsc.VectorSubcoreMesh(core_axis_name="c", subcore_axis_name="s"),
        out_type=jax.ShapeDtypeStruct((P * B, F), jnp.float32),
        scratch_types=[
            pltpu.VMEM((16,), jnp.int32),
            pltpu.VMEM((16, P, F), jnp.float32),
            pltpu.SemaphoreType.DMA,
        ],
    )(_psel_body)


def _proto_body(x_ref, f2t_ref, psel_ref, proto_ref):
    xv = x_ref[...]
    f2t = f2t_ref[0]
    nds, pts = [], []
    for p in range(P):
        ptp = psel_ref[p]
        cft = lax.dot_general(ptp, xv, (((1,), (1,)), ((), ())),
                              preferred_element_type=jnp.float32)
        c2t = jnp.sum(ptp * ptp, axis=1, keepdims=True)
        rst = f2t - 2.0 * cft + c2t
        nds.append(-rst)
        pts.append(ptp)
    b01 = nds[1] > nds[0]
    b23 = nds[3] > nds[2]
    m01 = jnp.maximum(nds[0], nds[1])
    m23 = jnp.maximum(nds[2], nds[3])
    bhi = m23 > m01
    for i in range(IB):
        rlo = jnp.where(b01[:, i:i + 1], pts[1], pts[0])
        rhi = jnp.where(b23[:, i:i + 1], pts[3], pts[2])
        slab = jnp.where(bhi[:, i:i + 1], rhi, rlo)
        proto_ref[i * B:(i + 1) * B, :] = slab


def _proto_call(x, f2t, psel):
    return pl.pallas_call(
        _proto_body,
        grid=(B // IB,),
        in_specs=[
            pl.BlockSpec((IB, F), lambda k: (k, 0)),
            pl.BlockSpec((1, 1, IB), lambda k: (k, 0, 0)),
            pl.BlockSpec((P, B, F), lambda k: (0, 0, 0)),
        ],
        out_specs=pl.BlockSpec((IB * B, F), lambda k: (k, 0)),
        out_shape=jax.ShapeDtypeStruct((B * B, F), jnp.float32),
    )(x, f2t, psel)


def kernel(x, prototypes):
    f2 = jnp.sum(x ** 2, axis=1, keepdims=True)
    pred, dst, idx1 = _main_call(x, f2, prototypes)
    psel = _psel_call()(idx1.reshape(B), prototypes)
    proto = _proto_call(x, f2.reshape(B // IB, 1, IB), psel.reshape(P, B, F))
    return (pred, dst, x, proto.reshape(B, B, F))

# --- scband reference (transcript-rebuilt; emitter-appended) ---
"""Pipeline reference for scband-prototypical-37503654428794 (READ-ONLY COPY).

The authoritative reference and input builder live on the scoring server;
editing this copy changes nothing except your own understanding.
"""

import jax, jax.numpy as jnp
import numpy as np

NUM_CLASS = 8192
PPC = 4
NUM_FEATURES = 256
BATCH = 256


def setup_inputs(seed: int = 0) -> dict:
    key = jax.random.key(seed)
    k1, k2 = jax.random.split(key)
    x = jax.random.normal(k1, (BATCH, NUM_FEATURES), dtype=jnp.float32)
    # learned prototype codebook (original init is zeros; use small random values so
    # argmax/gather paths are non-degenerate)
    prototypes = jax.random.normal(k2, (NUM_CLASS, PPC, NUM_FEATURES), dtype=jnp.float32) * 0.02
    return {"x": x, "prototypes": prototypes}


def reference(x, prototypes):
    # base_model is identity: ft = base_model(x) = x
    ft = x
    bsz = ft.shape[0]
    # distance(feat): squared euclidean distance to every prototype, negated
    pt = prototypes.reshape(-1, NUM_FEATURES)            # [(C*ppc), F]
    f2 = jnp.sum(ft ** 2, axis=1, keepdims=True)         # [B, 1]
    c2 = jnp.sum(pt ** 2, axis=1)                        # [(C*ppc)]
    cf = ft @ pt.T                                       # [B, C*ppc]  (dominant matmul)
    rst = f2 - 2.0 * cf + c2                             # [B, C*ppc]
    dst3 = -(rst.reshape(bsz, NUM_CLASS, -1))            # [B, C, ppc]
    # dst, idx2 = dst.max(dim=2)
    dst = jnp.max(dst3, axis=2)                          # [B, C]
    idx2 = jnp.argmax(dst3, axis=2)                      # [B, C]
    idx1 = jnp.argmax(dst, axis=1)                       # [B]
    pred = jax.nn.sigmoid(dst)                           # [B, C]
    # proto = prototypes[idx1, idx2[:, idx1]] -> broadcasting (B,) with (B,B) -> [B, B, F]
    proto = prototypes[idx1, idx2[:, idx1]]
    return (pred, dst, ft, proto)

if __name__ == "__main__":
    import jax
    _d = setup_inputs()
    print(jax.jit(kernel)(*tuple(_d.values())))

</pallas_src>

<mosaic_0001>
#map = affine_map<(d0, d1) -> (0)>
#map1 = affine_map<(d0, d1) -> (0, 0, 0)>
#map2 = affine_map<(d0, d1) -> (0, 0)>
module attributes {stable_mosaic.version = 14 : i64} {
  func.func @_psel_body(%arg0: i32, %arg1: i32, %arg2: memref<256xi32, #tpu.memory_space<hbm>>, %arg3: memref<8192x4x256xf32, #tpu.memory_space<hbm>>, %arg4: memref<1024x256xf32, #tpu.memory_space<hbm>>, %arg5: memref<16xi32, #tpu.memory_space<vmem>>, %arg6: memref<16x4x256xf32, #tpu.memory_space<vmem>>, %arg7: memref<!tpu.dma_semaphore, #tpu.memory_space<semaphore_mem>>) attributes {dimension_semantics = [#tpu.dimension_semantics<core_parallel>, #tpu.dimension_semantics<subcore_parallel>], iteration_bounds = array<i64: 2, 16>, scalar_prefetch = 0 : i64, scratch_operands = 3 : i64, tpu.core_type = #tpu.core_type<sc_vector_subcore>, window_params = [{transform_indices = #map}, {transform_indices = #map1}, {transform_indices = #map2}]} {
    %mul3A = arith.constant 2 : i32
    %mul3A_0 = arith.muli %arg1, %mul3A : i32
    %add3A = arith.addi %mul3A_0, %arg0 : i32
    %jit3A = arith.constant 2 : i32
    %div3A = arith.divsi %add3A, %jit3A : i32
    %sign3A = arith.constant 0 : i32
    %sign3A_1 = arith.cmpi sgt, %add3A, %sign3A : i32
    %sign3A_2 = arith.extui %sign3A_1 : i1 to i32
    %sign3A_3 = arith.constant 0 : i32
    %sign3A_4 = arith.cmpi slt, %add3A, %sign3A_3 : i32
    %sign3A_5 = arith.extui %sign3A_4 : i1 to i32
    %sign3A_6 = arith.subi %sign3A_2, %sign3A_5 : i32
    %sign3A_7 = arith.constant 0 : i32
    %sign3A_8 = arith.cmpi sgt, %jit3A, %sign3A_7 : i32
    %sign3A_9 = arith.extui %sign3A_8 : i1 to i32
    %sign3A_10 = arith.constant 0 : i32
    %sign3A_11 = arith.cmpi slt, %jit3A, %sign3A_10 : i32
    %sign3A_12 = arith.extui %sign3A_11 : i1 to i32
    %sign3A_13 = arith.subi %sign3A_9, %sign3A_12 : i32
    %ne3A = arith.cmpi ne, %sign3A_6, %sign3A_13 : i32
    %rem3A = arith.remsi %add3A, %jit3A : i32
    %ne3A_14 = arith.constant 0 : i32
    %ne3A_15 = arith.cmpi ne, %rem3A, %ne3A_14 : i32
    %and3A = arith.andi %ne3A, %ne3A_15 : i1
    %sub3A = arith.constant 1 : i32
    %sub3A_16 = arith.subi %div3A, %sub3A : i32
    %select_n3A = arith.select %and3A, %sub3A_16, %div3A : i32
    %mul3A_17 = arith.constant 16 : i32
    %mul3A_18 = arith.muli %select_n3A, %mul3A_17 : i32
    %jit3A_19 = arith.constant 2 : i32
    %eq3A = arith.constant 0 : i32
    %eq3A_20 = arith.cmpi eq, %jit3A_19, %eq3A : i32
    %jit3A_21 = arith.constant 1 : i32
    %select_n3A_22 = arith.select %eq3A_20, %jit3A_21, %jit3A_19 : i32
    %rem3A_23 = arith.remsi %add3A, %select_n3A_22 : i32
    %ne3A_24 = arith.constant 0 : i32
    %ne3A_25 = arith.cmpi ne, %rem3A_23, %ne3A_24 : i32
    %lt3A = arith.constant 0 : i32
    %lt3A_26 = arith.cmpi slt, %rem3A_23, %lt3A : i32
    %lt3A_27 = arith.constant 0 : i32
    %lt3A_28 = arith.cmpi slt, %select_n3A_22, %lt3A_27 : i32
    %ne3A_29 = arith.xori %lt3A_26, %lt3A_28 : i1
    %and3A_30 = arith.andi %ne3A_29, %ne3A_25 : i1
    %add3A_31 = arith.addi %rem3A_23, %select_n3A_22 : i32
    %select_n3A_32 = arith.select %and3A_30, %add3A_31, %rem3A_23 : i32
    %mul3A_33 = arith.constant 2 : i32
    %mul3A_34 = arith.muli %select_n3A_32, %mul3A_33 : i32
    "tpu.region"() ({
      %run_scoped3A = tpu.sem_alloc : memref<!tpu.dma_semaphore, #tpu.memory_space<semaphore_mem>>
      %dma_start3A_51 = tpu.memref_slice %arg2[%mul3A_18] : memref<256xi32, #tpu.memory_space<hbm>> -> memref<16xi32, #tpu.memory_space<hbm>>
      %dma_start3A_52 = tpu.memref_slice %arg2[%mul3A_18] : memref<256xi32, #tpu.memory_space<hbm>> -> memref<16xi32, #tpu.memory_space<hbm>>
      tpu.enqueue_dma source(%dma_start3A_52 : memref<16xi32, #tpu.memory_space<hbm>>) target(%arg5 : memref<16xi32, #tpu.memory_space<vmem>>) target_semaphore(%run_scoped3A : memref<!tpu.dma_semaphore, #tpu.memory_space<semaphore_mem>>)
      %dma_wait3A_53 = tpu.memref_slice %arg2[%mul3A_18] : memref<256xi32, #tpu.memory_space<hbm>> -> memref<16xi32, #tpu.memory_space<hbm>>
      %dma_wait3A_54 = tpu.memref_slice %arg2[%mul3A_18] : memref<256xi32, #tpu.memory_space<hbm>> -> memref<16xi32, #tpu.memory_space<hbm>>
      tpu.wait_dma2 semaphore(%run_scoped3A : memref<!tpu.dma_semaphore, #tpu.memory_space<semaphore_mem>>) src(%dma_wait3A_54 : memref<16xi32, #tpu.memory_space<hbm>>) dst(%arg5 : memref<16xi32, #tpu.memory_space<vmem>>)
      tpu.yield
    }) : () -> ()
    %dma_start3A = arith.constant 0 : i32
    %dma_start3A_35 = arith.constant 0 : i32
    %dma_start3A_36 = arith.constant 0 : i32
    %dma_start3A_37 = tpu.memref_slice %arg3[%dma_start3A, %dma_start3A_35, %dma_start3A_36] : memref<8192x4x256xf32, #tpu.memory_space<hbm>> -> memref<8192x4x256xf32, #tpu.memory_space<hbm>>
    tpu.enqueue_indirect_dma source(%dma_start3A_37 : memref<8192x4x256xf32, #tpu.memory_space<hbm>>) target(%arg6 : memref<16x4x256xf32, #tpu.memory_space<vmem>>) offsets(%arg5 : memref<16xi32, #tpu.memory_space<vmem>>) semaphore(%arg7 : memref<!tpu.dma_semaphore, #tpu.memory_space<semaphore_mem>>)
    %dma_wait3A = arith.constant 0 : i32
    %dma_wait3A_38 = arith.constant 0 : i32
    %dma_wait3A_39 = arith.constant 0 : i32
    %dma_wait3A_40 = tpu.memref_slice %arg3[%dma_wait3A, %dma_wait3A_38, %dma_wait3A_39] : memref<8192x4x256xf32, #tpu.memory_space<hbm>> -> memref<8192x4x256xf32, #tpu.memory_space<hbm>>
    tpu.wait_indirect_dma semaphore(%arg7 : memref<!tpu.dma_semaphore, #tpu.memory_space<semaphore_mem>>) src(%dma_wait3A_40 : memref<8192x4x256xf32, #tpu.memory_space<hbm>>) dst(%arg6 : memref<16x4x256xf32, #tpu.memory_space<vmem>>)
    %add3A_41 = arith.constant 0 : i32
    %add3A_42 = arith.addi %mul3A_34, %add3A_41 : i32
    %mul3A_43 = arith.constant 256 : i32
    %mul3A_44 = arith.muli %add3A_42, %mul3A_43 : i32
    %add3A_45 = arith.addi %mul3A_44, %mul3A_18 : i32
    "tpu.region"() ({
      %run_scoped3A = tpu.sem_alloc : memref<!tpu.dma_semaphore, #tpu.memory_space<semaphore_mem>>
      %dma_start3A_51 = arith.constant 0 : i32
      %dma_start3A_52 = arith.constant 0 : i32
      %dma_start3A_53 = tpu.memref_slice %arg6[%dma_start3A_51, %add3A_42, %dma_start3A_52] : memref<16x4x256xf32, #tpu.memory_space<vmem>> -> memref<16x1x256xf32, #tpu.memory_space<vmem>>
      %dma_start3A_54 = tpu.memref_squeeze %dma_start3A_53 : memref<16x1x256xf32, #tpu.memory_space<vmem>> -> memref<16x256xf32, #tpu.memory_space<vmem>>
      %dma_start3A_55 = arith.constant 0 : i32
      %dma_start3A_56 = tpu.memref_slice %arg4[%add3A_45, %dma_start3A_55] : memref<1024x256xf32, #tpu.memory_space<hbm>> -> memref<16x256xf32, #tpu.memory_space<hbm>>
      %dma_start3A_57 = arith.constant 0 : i32
      %dma_start3A_58 = tpu.memref_slice %arg4[%add3A_45, %dma_start3A_57] : memref<1024x256xf32, #tpu.memory_space<hbm>> -> memref<16x256xf32, #tpu.memory_space<hbm>>
      %dma_start3A_59 = arith.constant 0 : i32
      %dma_start3A_60 = arith.constant 0 : i32
      %dma_start3A_61 = tpu.memref_slice %arg6[%dma_start3A_59, %add3A_42, %dma_start3A_60] : memref<16x4x256xf32, #tpu.memory_space<vmem>> -> memref<16x1x256xf32, #tpu.memory_space<vmem>>
      %dma_start3A_62 = tpu.memref_squeeze %dma_start3A_61 : memref<16x1x256xf32, #tpu.memory_space<vmem>> -> memref<16x256xf32, #tpu.memory_space<vmem>>
      tpu.enqueue_dma source(%dma_start3A_62 : memref<16x256xf32, #tpu.memory_space<vmem>>) target(%dma_start3A_58 : memref<16x256xf32, #tpu.memory_space<hbm>>) target_semaphore(%run_scoped3A : memref<!tpu.dma_semaphore, #tpu.memory_space<semaphore_mem>>)
      %dma_wait3A_63 = arith.constant 0 : i32
      %dma_wait3A_64 = arith.constant 0 : i32
      %dma_wait3A_65 = tpu.memref_slice %arg6[%dma_wait3A_63, %add3A_42, %dma_wait3A_64] : memref<16x4x256xf32, #tpu.memory_space<vmem>> -> memref<16x1x256xf32, #tpu.memory_space<vmem>>
      %dma_wait3A_66 = tpu.memref_squeeze %dma_wait3A_65 : memref<16x1x256xf32, #tpu.memory_space<vmem>> -> memref<16x256xf32, #tpu.memory_space<vmem>>
      %dma_wait3A_67 = arith.constant 0 : i32
      %dma_wait3A_68 = tpu.memref_slice %arg4[%add3A_45, %dma_wait3A_67] : memref<1024x256xf32, #tpu.memory_space<hbm>> -> memref<16x256xf32, #tpu.memory_space<hbm>>
      %dma_wait3A_69 = arith.constant 0 : i32
      %dma_wait3A_70 = tpu.memref_slice %arg4[%add3A_45, %dma_wait3A_69] : memref<1024x256xf32, #tpu.memory_space<hbm>> -> memref<16x256xf32, #tpu.memory_space<hbm>>
      %dma_wait3A_71 = arith.constant 0 : i32
      %dma_wait3A_72 = arith.constant 0 : i32
      %dma_wait3A_73 = tpu.memref_slice %arg6[%dma_wait3A_71, %add3A_42, %dma_wait3A_72] : memref<16x4x256xf32, #tpu.memory_space<vmem>> -> memref<16x1x256xf32, #tpu.memory_space<vmem>>
      %dma_wait3A_74 = tpu.memref_squeeze %dma_wait3A_73 : memref<16x1x256xf32, #tpu.memory_space<vmem>> -> memref<16x256xf32, #tpu.memory_space<vmem>>
      tpu.wait_dma2 semaphore(%run_scoped3A : memref<!tpu.dma_semaphore, #tpu.memory_space<semaphore_mem>>) src(%dma_wait3A_74 : memref<16x256xf32, #tpu.memory_space<vmem>>) dst(%dma_wait3A_70 : memref<16x256xf32, #tpu.memory_space<hbm>>)
      tpu.yield
    }) : () -> ()
    %add3A_46 = arith.constant 1 : i32
    %add3A_47 = arith.addi %mul3A_34, %add3A_46 : i32
    %mul3A_48 = arith.constant 256 : i32
    %mul3A_49 = arith.muli %add3A_47, %mul3A_48 : i32
    %add3A_50 = arith.addi %mul3A_49, %mul3A_18 : i32
    "tpu.region"() ({
      %run_scoped3A = tpu.sem_alloc : memref<!tpu.dma_semaphore, #tpu.memory_space<semaphore_mem>>
      %dma_start3A_51 = arith.constant 0 : i32
      %dma_start3A_52 = arith.constant 0 : i32
      %dma_start3A_53 = tpu.memref_slice %arg6[%dma_start3A_51, %add3A_47, %dma_start3A_52] : memref<16x4x256xf32, #tpu.memory_space<vmem>> -> memref<16x1x256xf32, #tpu.memory_space<vmem>>
      %dma_start3A_54 = tpu.memref_squeeze %dma_start3A_53 : memref<16x1x256xf32, #tpu.memory_space<vmem>> -> memref<16x256xf32, #tpu.memory_space<vmem>>
      %dma_start3A_55 = arith.constant 0 : i32
      %dma_start3A_56 = tpu.memref_slice %arg4[%add3A_50, %dma_start3A_55] : memref<1024x256xf32, #tpu.memory_space<hbm>> -> memref<16x256xf32, #tpu.memory_space<hbm>>
      %dma_start3A_57 = arith.constant 0 : i32
      %dma_start3A_58 = tpu.memref_slice %arg4[%add3A_50, %dma_start3A_57] : memref<1024x256xf32, #tpu.memory_space<hbm>> -> memref<16x256xf32, #tpu.memory_space<hbm>>
      %dma_start3A_59 = arith.constant 0 : i32
      %dma_start3A_60 = arith.constant 0 : i32
      %dma_start3A_61 = tpu.memref_slice %arg6[%dma_start3A_59, %add3A_47, %dma_start3A_60] : memref<16x4x256xf32, #tpu.memory_space<vmem>> -> memref<16x1x256xf32, #tpu.memory_space<vmem>>
      %dma_start3A_62 = tpu.memref_squeeze %dma_start3A_61 : memref<16x1x256xf32, #tpu.memory_space<vmem>> -> memref<16x256xf32, #tpu.memory_space<vmem>>
      tpu.enqueue_dma source(%dma_start3A_62 : memref<16x256xf32, #tpu.memory_space<vmem>>) target(%dma_start3A_58 : memref<16x256xf32, #tpu.memory_space<hbm>>) target_semaphore(%run_scoped3A : memref<!tpu.dma_semaphore, #tpu.memory_space<semaphore_mem>>)
      %dma_wait3A_63 = arith.constant 0 : i32
      %dma_wait3A_64 = arith.constant 0 : i32
      %dma_wait3A_65 = tpu.memref_slice %arg6[%dma_wait3A_63, %add3A_47, %dma_wait3A_64] : memref<16x4x256xf32, #tpu.memory_space<vmem>> -> memref<16x1x256xf32, #tpu.memory_space<vmem>>
      %dma_wait3A_66 = tpu.memref_squeeze %dma_wait3A_65 : memref<16x1x256xf32, #tpu.memory_space<vmem>> -> memref<16x256xf32, #tpu.memory_space<vmem>>
      %dma_wait3A_67 = arith.constant 0 : i32
      %dma_wait3A_68 = tpu.memref_slice %arg4[%add3A_50, %dma_wait3A_67] : memref<1024x256xf32, #tpu.memory_space<hbm>> -> memref<16x256xf32, #tpu.memory_space<hbm>>
      %dma_wait3A_69 = arith.constant 0 : i32
      %dma_wait3A_70 = tpu.memref_slice %arg4[%add3A_50, %dma_wait3A_69] : memref<1024x256xf32, #tpu.memory_space<hbm>> -> memref<16x256xf32, #tpu.memory_space<hbm>>
      %dma_wait3A_71 = arith.constant 0 : i32
      %dma_wait3A_72 = arith.constant 0 : i32
      %dma_wait3A_73 = tpu.memref_slice %arg6[%dma_wait3A_71, %add3A_47, %dma_wait3A_72] : memref<16x4x256xf32, #tpu.memory_space<vmem>> -> memref<16x1x256xf32, #tpu.memory_space<vmem>>
      %dma_wait3A_74 = tpu.memref_squeeze %dma_wait3A_73 : memref<16x1x256xf32, #tpu.memory_space<vmem>> -> memref<16x256xf32, #tpu.memory_space<vmem>>
      tpu.wait_dma2 semaphore(%run_scoped3A : memref<!tpu.dma_semaphore, #tpu.memory_space<semaphore_mem>>) src(%dma_wait3A_74 : memref<16x256xf32, #tpu.memory_space<vmem>>) dst(%dma_wait3A_70 : memref<16x256xf32, #tpu.memory_space<hbm>>)
      tpu.yield
    }) : () -> ()
    return
  }
}

module attributes {stable_mosaic.version = 14 : i64} {
  func.func @_proto_body(%arg0: i32, %arg1: memref<32x256xf32, #tpu.memory_space<vmem>>, %arg2: memref<1x1x32xf32, #tpu.memory_space<vmem>>, %arg3: memref<4x256x256xf32, #tpu.memory_space<vmem>>, %arg4: memref<8192x256xf32, #tpu.memory_space<vmem>>) attributes {dimension_semantics = [#tpu.dimension_semantics<arbitrary>], iteration_bounds = array<i64: 8>, scalar_prefetch = 0 : i64, scratch_operands = 0 : i64, tpu.core_type = #tpu.core_type<tc>, window_params = [{transform_indices = @transform_0, window_bounds = array<i64: 32, 256>}, {transform_indices = @transform_1, window_bounds = array<i64: 1, 1, 32>}, {pipeline_mode = #tpu.pipeline_mode<synchronous>, transform_indices = @transform_2, window_bounds = array<i64: 4, 256, 256>}, {transform_indices = @transform_3, window_bounds = array<i64: 8192, 256>}]} {
    %get3A = arith.constant 0 : index
    %get3A_0 = arith.constant 0 : index
    %get3A_1 = vector.load %arg1[%get3A, %get3A_0] : memref<32x256xf32, #tpu.memory_space<vmem>>, vector<32x256xf32>
    %get3A_2 = arith.constant 0 : index
    %get3A_3 = arith.constant 0 : index
    %get3A_4 = arith.constant 0 : index
    %get3A_5 = vector.load %arg2[%get3A_2, %get3A_3, %get3A_4] : memref<1x1x32xf32, #tpu.memory_space<vmem>>, vector<1x1x32xf32>
    %get3A_6 = vector.shape_cast %get3A_5 : vector<1x1x32xf32> to vector<1x32xf32>
    %get3A_7 = arith.constant 0 : index
    %get3A_8 = arith.constant 0 : index
    %get3A_9 = arith.constant 0 : index
    %get3A_10 = vector.load %arg3[%get3A_7, %get3A_8, %get3A_9] : memref<4x256x256xf32, #tpu.memory_space<vmem>>, vector<1x256x256xf32>
    %get3A_11 = vector.shape_cast %get3A_10 : vector<1x256x256xf32> to vector<256x256xf32>
    %dot_general3A = arith.constant dense<0.000000e+00> : vector<256x32xf32>
    %dot_general3A_12 = tpu.matmul %get3A_11, %get3A_1, %dot_general3A {dimension_numbers = #tpu.dot_dimension_numbers<[1], [1], [0], [0], [0, 0, 1, 0], [], []>, transpose_lhs_hint = false} : vector<256x256xf32>, vector<32x256xf32>, vector<256x32xf32> -> vector<256x32xf32>
    %mul3A = arith.mulf %get3A_11, %get3A_11 : vector<256x256xf32>
    %reduce_sum3A = arith.constant dense<0.000000e+00> : vector<256xf32>
    %reduce_sum3A_13 = vector.multi_reduction <add>, %mul3A, %reduce_sum3A [1] : vector<256x256xf32> to vector<256xf32>
    %broadcast_in_dim3A = vector.shape_cast %reduce_sum3A_13 : vector<256xf32> to vector<256x1xf32>
    %mul3A_14 = arith.constant 2.000000e+00 : f32
    %mul3A_15 = vector.broadcast %mul3A_14 : f32 to vector<256x32xf32>
    %mul3A_16 = arith.mulf %mul3A_15, %dot_general3A_12 : vector<256x32xf32>
    %sub3A = vector.broadcast %get3A_6 : vector<1x32xf32> to vector<256x32xf32>
    %sub3A_17 = arith.subf %sub3A, %mul3A_16 : vector<256x32xf32>
    %add3A = vector.broadcast %broadcast_in_dim3A : vector<256x1xf32> to vector<256x32xf32>
    %add3A_18 = arith.addf %sub3A_17, %add3A : vector<256x32xf32>
    %neg3A = arith.constant 0.000000e+00 : f32
    %neg3A_19 = vector.broadcast %neg3A : f32 to vector<256x32xf32>
    %neg3A_20 = arith.subf %neg3A_19, %add3A_18 : vector<256x32xf32>
    %get3A_21 = arith.constant 1 : index
    %get3A_22 = arith.constant 0 : index
    %get3A_23 = arith.constant 0 : index
    %get3A_24 = vector.load %arg3[%get3A_21, %get3A_22, %get3A_23] : memref<4x256x256xf32, #tpu.memory_space<vmem>>, vector<1x256x256xf32>
    %get3A_25 = vector.shape_cast %get3A_24 : vector<1x256x256xf32> to vector<256x256xf32>
    %dot_general3A_26 = arith.constant dense<0.000000e+00> : vector<256x32xf32>
    %dot_general3A_27 = tpu.matmul %get3A_25, %get3A_1, %dot_general3A_26 {dimension_numbers = #tpu.dot_dimension_numbers<[1], [1], [0], [0], [0, 0, 1, 0], [], []>, transpose_lhs_hint = false} : vector<256x256xf32>, vector<32x256xf32>, vector<256x32xf32> -> vector<256x32xf32>
    %mul3A_28 = arith.mulf %get3A_25, %get3A_25 : vector<256x256xf32>
    %reduce_sum3A_29 = arith.constant dense<0.000000e+00> : vector<256xf32>
    %reduce_sum3A_30 = vector.multi_reduction <add>, %mul3A_28, %reduce_sum3A_29 [1] : vector<256x256xf32> to vector<256xf32>
    %broadcast_in_dim3A_31 = vector.shape_cast %reduce_sum3A_30 : vector<256xf32> to vector<256x1xf32>
    %mul3A_32 = arith.constant 2.000000e+00 : f32
    %mul3A_33 = vector.broadcast %mul3A_32 : f32 to vector<256x32xf32>
    %mul3A_34 = arith.mulf %mul3A_33, %dot_general3A_27 : vector<256x32xf32>
    %sub3A_35 = vector.broadcast %get3A_6 : vector<1x32xf32> to vector<256x32xf32>
    %sub3A_36 = arith.subf %sub3A_35, %mul3A_34 : vector<256x32xf32>
    %add3A_37 = vector.broadcast %broadcast_in_dim3A_31 : vector<256x1xf32> to vector<256x32xf32>
    %add3A_38 = arith.addf %sub3A_36, %add3A_37 : vector<256x32xf32>
    %neg3A_39 = arith.constant 0.000000e+00 : f32
    %neg3A_40 = vector.broadcast %neg3A_39 : f32 to vector<256x32xf32>
    %neg3A_41 = arith.subf %neg3A_40, %add3A_38 : vector<256x32xf32>
    %get3A_42 = arith.constant 2 : index
    %get3A_43 = arith.constant 0 : index
    %get3A_44 = arith.constant 0 : index
    %get3A_45 = vector.load %arg3[%get3A_42, %get3A_43, %get3A_44] : memref<4x256x256xf32, #tpu.memory_space<vmem>>, vector<1x256x256xf32>
    %get3A_46 = vector.shape_cast %get3A_45 : vector<1x256x256xf32> to vector<256x256xf32>
    %dot_general3A_47 = arith.constant dense<0.000000e+00> : vector<256x32xf32>
    %dot_general3A_48 = tpu.matmul %get3A_46, %get3A_1, %dot_general3A_47 {dimension_numbers = #tpu.dot_dimension_numbers<[1], [1], [0], [0], [0, 0, 1, 0], [], []>, transpose_lhs_hint = false} : vector<256x256xf32>, vector<32x256xf32>, vector<256x32xf32> -> vector<256x32xf32>
    %mul3A_49 = arith.mulf %get3A_46, %get3A_46 : vector<256x256xf32>
    %reduce_sum3A_50 = arith.constant dense<0.000000e+00> : vector<256xf32>
    %reduce_sum3A_51 = vector.multi_reduction <add>, %mul3A_49, %reduce_sum3A_50 [1] : vector<256x256xf32> to vector<256xf32>
    %broadcast_in_dim3A_52 = vector.shape_cast %reduce_sum3A_51 : vector<256xf32> to vector<256x1xf32>
    %mul3A_53 = arith.constant 2.000000e+00 : f32
    %mul3A_54 = vector.broadcast %mul3A_53 : f32 to vector<256x32xf32>
    %mul3A_55 = arith.mulf %mul3A_54, %dot_general3A_48 : vector<256x32xf32>
    %sub3A_56 = vector.broadcast %get3A_6 : vector<1x32xf32> to vector<256x32xf32>
    %sub3A_57 = arith.subf %sub3A_56, %mul3A_55 : vector<256x32xf32>
    %add3A_58 = vector.broadcast %broadcast_in_dim3A_52 : vector<256x1xf32> to vector<256x32xf32>
    %add3A_59 = arith.addf %sub3A_57, %add3A_58 : vector<256x32xf32>
    %neg3A_60 = arith.constant 0.000000e+00 : f32
    %neg3A_61 = vector.broadcast %neg3A_60 : f32 to vector<256x32xf32>
    %neg3A_62 = arith.subf %neg3A_61, %add3A_59 : vector<256x32xf32>
    %get3A_63 = arith.constant 3 : index
    %get3A_64 = arith.constant 0 : index
    %get3A_65 = arith.constant 0 : index
    %get3A_66 = vector.load %arg3[%get3A_63, %get3A_64, %get3A_65] : memref<4x256x256xf32, #tpu.memory_space<vmem>>, vector<1x256x256xf32>
    %get3A_67 = vector.shape_cast %get3A_66 : vector<1x256x256xf32> to vector<256x256xf32>
    %dot_general3A_68 = arith.constant dense<0.000000e+00> : vector<256x32xf32>
    %dot_general3A_69 = tpu.matmul %get3A_67, %get3A_1, %dot_general3A_68 {dimension_numbers = #tpu.dot_dimension_numbers<[1], [1], [0], [0], [0, 0, 1, 0], [], []>, transpose_lhs_hint = false} : vector<256x256xf32>, vector<32x256xf32>, vector<256x32xf32> -> vector<256x32xf32>
    %mul3A_70 = arith.mulf %get3A_67, %get3A_67 : vector<256x256xf32>
    %reduce_sum3A_71 = arith.constant dense<0.000000e+00> : vector<256xf32>
    %reduce_sum3A_72 = vector.multi_reduction <add>, %mul3A_70, %reduce_sum3A_71 [1] : vector<256x256xf32> to vector<256xf32>
    %broadcast_in_dim3A_73 = vector.shape_cast %reduce_sum3A_72 : vector<256xf32> to vector<256x1xf32>
    %mul3A_74 = arith.constant 2.000000e+00 : f32
    %mul3A_75 = vector.broadcast %mul3A_74 : f32 to vector<256x32xf32>
    %mul3A_76 = arith.mulf %mul3A_75, %dot_general3A_69 : vector<256x32xf32>
    %sub3A_77 = vector.broadcast %get3A_6 : vector<1x32xf32> to vector<256x32xf32>
    %sub3A_78 = arith.subf %sub3A_77, %mul3A_76 : vector<256x32xf32>
    %add3A_79 = vector.broadcast %broadcast_in_dim3A_73 : vector<256x1xf32> to vector<256x32xf32>
    %add3A_80 = arith.addf %sub3A_78, %add3A_79 : vector<256x32xf32>
    %neg3A_81 = arith.constant 0.000000e+00 : f32
    %neg3A_82 = vector.broadcast %neg3A_81 : f32 to vector<256x32xf32>
    %neg3A_83 = arith.subf %neg3A_82, %add3A_80 : vector<256x32xf32>
    %gt3A = arith.cmpf ogt, %neg3A_41, %neg3A_20 : vector<256x32xf32>
    %gt3A_84 = arith.cmpf ogt, %neg3A_83, %neg3A_62 : vector<256x32xf32>
    %max3A = arith.maximumf %neg3A_20, %neg3A_41 : vector<256x32xf32>
    %max3A_85 = arith.maximumf %neg3A_62, %neg3A_83 : vector<256x32xf32>
    %gt3A_86 = arith.cmpf ogt, %max3A_85, %max3A : vector<256x32xf32>
    %slice3A = vector.extract_strided_slice %gt3A {offsets = [0, 0], sizes = [256, 1], strides = [1, 1]} : vector<256x32xi1> to vector<256x1xi1>
    %broadcast_in_dim3A_87 = vector.shape_cast %slice3A : vector<256x1xi1> to vector<256x1xi1>
    %broadcast_in_dim3A_88 = vector.broadcast %broadcast_in_dim3A_87 : vector<256x1xi1> to vector<256x256xi1>
    %select_n3A = arith.select %broadcast_in_dim3A_88, %get3A_25, %get3A_11 : vector<256x256xi1>, vector<256x256xf32>
    %slice3A_89 = vector.extract_strided_slice %gt3A_84 {offsets = [0, 0], sizes = [256, 1], strides = [1, 1]} : vector<256x32xi1> to vector<256x1xi1>
    %broadcast_in_dim3A_90 = vector.shape_cast %slice3A_89 : vector<256x1xi1> to vector<256x1xi1>
    %broadcast_in_dim3A_91 = vector.broadcast %broadcast_in_dim3A_90 : vector<256x1xi1> to vector<256x256xi1>
    %select_n3A_92 = arith.select %broadcast_in_dim3A_91, %get3A_67, %get3A_46 : vector<256x256xi1>, vector<256x256xf32>
    %slice3A_93 = vector.extract_strided_slice %gt3A_86 {offsets = [0, 0], sizes = [256, 1], strides = [1, 1]} : vector<256x32xi1> to vector<256x1xi1>
    %broadcast_in_dim3A_94 = vector.shape_cast %slice3A_93 : vector<256x1xi1> to vector<256x1xi1>
    %broadcast_in_dim3A_95 = vector.broadcast %broadcast_in_dim3A_94 : vector<256x1xi1> to vector<256x256xi1>
    %select_n3A_96 = arith.select %broadcast_in_dim3A_95, %select_n3A_92, %select_n3A : vector<256x256xi1>, vector<256x256xf32>
    %swap3A = arith.constant 0 : index
    %swap3A_97 = arith.constant 0 : index
    %swap3A_98 = vector.load %arg4[%swap3A, %swap3A_97] : memref<8192x256xf32, #tpu.memory_space<vmem>>, vector<256x256xf32>
    tpu.vector_store %arg4[%swap3A, %swap3A_97], %select_n3A_96 {strides = array<i32>} : memref<8192x256xf32, #tpu.memory_space<vmem>>, vector<256x256xf32>,
    %slice3A_99 = vector.extract_strided_slice %gt3A {offsets = [0, 1], sizes = [256, 1], strides = [1, 1]} : vector<256x32xi1> to vector<256x1xi1>
    %broadcast_in_dim3A_100 = vector.shape_cast %slice3A_99 : vector<256x1xi1> to vector<256x1xi1>
    %broadcast_in_dim3A_101 = vector.broadcast %broadcast_in_dim3A_100 : vector<256x1xi1> to vector<256x256xi1>
    %select_n3A_102 = arith.select %broadcast_in_dim3A_101, %get3A_25, %get3A_11 : vector<256x256xi1>, vector<256x256xf32>
    %slice3A_103 = vector.extract_strided_slice %gt3A_84 {offsets = [0, 1], sizes = [256, 1], strides = [1, 1]} : vector<256x32xi1> to vector<256x1xi1>
    %broadcast_in_dim3A_104 = vector.shape_cast %slice3A_103 : vector<256x1xi1> to vector<256x1xi1>
    %broadcast_in_dim3A_105 = vector.broadcast %broadcast_in_dim3A_104 : vector<256x1xi1> to vector<256x256xi1>
    %select_n3A_106 = arith.select %broadcast_in_dim3A_105, %get3A_67, %get3A_46 : vector<256x256xi1>, vector<256x256xf32>
    %slice3A_107 = vector.extract_strided_slice %gt3A_86 {offsets = [0, 1], sizes = [256, 1], strides = [1, 1]} : vector<256x32xi1> to vector<256x1xi1>
    %broadcast_in_dim3A_108 = vector.shape_cast %slice3A_107 : vector<256x1xi1> to vector<256x1xi1>
    %broadcast_in_dim3A_109 = vector.broadcast %broadcast_in_dim3A_108 : vector<256x1xi1> to vector<256x256xi1>
    %select_n3A_110 = arith.select %broadcast_in_dim3A_109, %select_n3A_106, %select_n3A_102 : vector<256x256xi1>, vector<256x256xf32>
    %swap3A_111 = arith.constant 256 : index
    %swap3A_112 = arith.constant 0 : index
    %swap3A_113 = vector.load %arg4[%swap3A_111, %swap3A_112] : memref<8192x256xf32, #tpu.memory_space<vmem>>, vector<256x256xf32>
    tpu.vector_store %arg4[%swap3A_111, %swap3A_112], %select_n3A_110 {strides = array<i32>} : memref<8192x256xf32, #tpu.memory_space<vmem>>, vector<256x256xf32>,
    %slice3A_114 = vector.extract_strided_slice %gt3A {offsets = [0, 2], sizes = [256, 1], strides = [1, 1]} : vector<256x32xi1> to vector<256x1xi1>
    %broadcast_in_dim3A_115 = vector.shape_cast %slice3A_114 : vector<256x1xi1> to vector<256x1xi1>
    %broadcast_in_dim3A_116 = vector.broadcast %broadcast_in_dim3A_115 : vector<256x1xi1> to vector<256x256xi1>
    %select_n3A_117 = arith.select %broadcast_in_dim3A_116, %get3A_25, %get3A_11 : vector<256x256xi1>, vector<256x256xf32>
    %slice3A_118 = vector.extract_strided_slice %gt3A_84 {offsets = [0, 2], sizes = [256, 1], strides = [1, 1]} : vector<256x32xi1> to vector<256x1xi1>
    %broadcast_in_dim3A_119 = vector.shape_cast %slice3A_118 : vector<256x1xi1> to vector<256x1xi1>
    %broadcast_in_dim3A_120 = vector.broadcast %broadcast_in_dim3A_119 : vector<256x1xi1> to vector<256x256xi1>
    %select_n3A_121 = arith.select %broadcast_in_dim3A_120, %get3A_67, %get3A_46 : vector<256x256xi1>, vector<256x256xf32>
    %slice3A_122 = vector.extract_strided_slice %gt3A_86 {offsets = [0, 2], sizes = [256, 1], strides = [1, 1]} : vector<256x32xi1> to vector<256x1xi1>
    %broadcast_in_dim3A_123 = vector.shape_cast %slice3A_122 : vector<256x1xi1> to vector<256x1xi1>
    %broadcast_in_dim3A_124 = vector.broadcast %broadcast_in_dim3A_123 : vector<256x1xi1> to vector<256x256xi1>
    %select_n3A_125 = arith.select %broadcast_in_dim3A_124, %select_n3A_121, %select_n3A_117 : vector<256x256xi1>, vector<256x256xf32>
    %swap3A_126 = arith.constant 512 : index
    %swap3A_127 = arith.constant 0 : index
    %swap3A_128 = vector.load %arg4[%swap3A_126, %swap3A_127] : memref<8192x256xf32, #tpu.memory_space<vmem>>, vector<256x256xf32>
    tpu.vector_store %arg4[%swap3A_126, %swap3A_127], %select_n3A_125 {strides = array<i32>} : memref<8192x256xf32, #tpu.memory_space<vmem>>, vector<256x256xf32>,
    %slice3A_129 = vector.extract_strided_slice %gt3A {offsets = [0, 3], sizes = [256, 1], strides = [1, 1]} : vector<256x32xi1> to vector<256x1xi1>
    %broadcast_in_dim3A_130 = vector.shape_cast %slice3A_129 : vector<256x1xi1> to vector<256x1xi1>
    %broadcast_in_dim3A_131 = vector.broadcast %broadcast_in_dim3A_130 : vector<256x1xi1> to vector<256x256xi1>
    %select_n3A_132 = arith.select %broadcast_in_dim3A_131, %get3A_25, %get3A_11 : vector<256x256xi1>, vector<256x256xf32>
    %slice3A_133 = vector.extract_strided_slice %gt3A_84 {offsets = [0, 3], sizes = [256, 1], strides = [1, 1]} : vector<256x32xi1> to vector<256x1xi1>
    %broadcast_in_dim3A_134 = vector.shape_cast %slice3A_133 : vector<256x1xi1> to vector<256x1xi1>
    %broadcast_in_dim3A_135 = vector.broadcast %broadcast_in_dim3A_134 : vector<256x1xi1> to vector<256x256xi1>
    %select_n3A_136 = arith.select %broadcast_in_dim3A_135, %get3A_67, %get3A_46 : vector<256x256xi1>, vector<256x256xf32>
    %slice3A_137 = vector.extract_strided_slice %gt3A_86 {offsets = [0, 3], sizes = [256, 1], strides = [1, 1]} : vector<256x32xi1> to vector<256x1xi1>
    %broadcast_in_dim3A_138 = vector.shape_cast %slice3A_137 : vector<256x1xi1> to vector<256x1xi1>
    %broadcast_in_dim3A_139 = vector.broadcast %broadcast_in_dim3A_138 : vector<256x1xi1> to vector<256x256xi1>
    %select_n3A_140 = arith.select %broadcast_in_dim3A_139, %select_n3A_136, %select_n3A_132 : vector<256x256xi1>, vector<256x256xf32>
    %swap3A_141 = arith.constant 768 : index
    %swap3A_142 = arith.constant 0 : index
    %swap3A_143 = vector.load %arg4[%swap3A_141, %swap3A_142] : memref<8192x256xf32, #tpu.memory_space<vmem>>, vector<256x256xf32>
    tpu.vector_store %arg4[%swap3A_141, %swap3A_142], %select_n3A_140 {strides = array<i32>} : memref<8192x256xf32, #tpu.memory_space<vmem>>, vector<256x256xf32>,
    %slice3A_144 = vector.extract_strided_slice %gt3A {offsets = [0, 4], sizes = [256, 1], strides = [1, 1]} : vector<256x32xi1> to vector<256x1xi1>
    %broadcast_in_dim3A_145 = vector.shape_cast %slice3A_144 : vector<256x1xi1> to vector<256x1xi1>
    %broadcast_in_dim3A_146 = vector.broadcast %broadcast_in_dim3A_145 : vector<256x1xi1> to vector<256x256xi1>
    %select_n3A_147 = arith.select %broadcast_in_dim3A_146, %get3A_25, %get3A_11 : vector<256x256xi1>, vector<256x256xf32>
    %slice3A_148 = vector.extract_strided_slice %gt3A_84 {offsets = [0, 4], sizes = [256, 1], strides = [1, 1]} : vector<256x32xi1> to vector<256x1xi1>
    %broadcast_in_dim3A_149 = vector.shape_cast %slice3A_148 : vector<256x1xi1> to vector<256x1xi1>
    %broadcast_in_dim3A_150 = vector.broadcast %broadcast_in_dim3A_149 : vector<256x1xi1> to vector<256x256xi1>
    %select_n3A_151 = arith.select %broadcast_in_dim3A_150, %get3A_67, %get3A_46 : vector<256x256xi1>, vector<256x256xf32>
    %slice3A_152 = vector.extract_strided_slice %gt3A_86 {offsets = [0, 4], sizes = [256, 1], strides = [1, 1]} : vector<256x32xi1> to vector<256x1xi1>
    %broadcast_in_dim3A_153 = vector.shape_cast %slice3A_152 : vector<256x1xi1> to vector<256x1xi1>
    %broadcast_in_dim3A_154 = vector.broadcast %broadcast_in_dim3A_153 : vector<256x1xi1> to vector<256x256xi1>
    %select_n3A_155 = arith.select %broadcast_in_dim3A_154, %select_n3A_151, %select_n3A_147 : vector<256x256xi1>, vector<256x256xf32>
    %swap3A_156 = arith.constant 1024 : index
    %swap3A_157 = arith.constant 0 : index
    %swap3A_158 = vector.load %arg4[%swap3A_156, %swap3A_157] : memref<8192x256xf32, #tpu.memory_space<vmem>>, vector<256x256xf32>
    tpu.vector_store %arg4[%swap3A_156, %swap3A_157], %select_n3A_155 {strides = array<i32>} : memref<8192x256xf32, #tpu.memory_space<vmem>>, vector<256x256xf32>,
    %slice3A_159 = vector.extract_strided_slice %gt3A {offsets = [0, 5], sizes = [256, 1], strides = [1, 1]} : vector<256x32xi1> to vector<256x1xi1>
    %broadcast_in_dim3A_160 = vector.shape_cast %slice3A_159 : vector<256x1xi1> to vector<256x1xi1>
    %broadcast_in_dim3A_161 = vector.broadcast %broadcast_in_dim3A_160 : vector<256x1xi1> to vector<256x256xi1>
    %select_n3A_162 = arith.select %broadcast_in_dim3A_161, %get3A_25, %get3A_11 : vector<256x256xi1>, vector<256x256xf32>
    %slice3A_163 = vector.extract_strided_slice %gt3A_84 {offsets = [0, 5], sizes = [256, 1], strides = [1, 1]} : vector<256x32xi1> to vector<256x1xi1>
    %broadcast_in_dim3A_164 = vector.shape_cast %slice3A_163 : vector<256x1xi1> to vector<256x1xi1>
    %broadcast_in_dim3A_165 = vector.broadcast %broadcast_in_dim3A_164 : vector<256x1xi1> to vector<256x256xi1>
    %select_n3A_166 = arith.select %broadcast_in_dim3A_165, %get3A_67, %get3A_46 : vector<256x256xi1>, vector<256x256xf32>
    %slice3A_167 = vector.extract_strided_slice %gt3A_86 {offsets = [0, 5], sizes = [256, 1], strides = [1, 1]} : vector<256x32xi1> to vector<256x1xi1>
    %broadcast_in_dim3A_168 = vector.shape_cast %slice3A_167 : vector<256x1xi1> to vector<256x1xi1>
    %broadcast_in_dim3A_169 = vector.broadcast %broadcast_in_dim3A_168 : vector<256x1xi1> to vector<256x256xi1>
    %select_n3A_170 = arith.select %broadcast_in_dim3A_169, %select_n3A_166, %select_n3A_162 : vector<256x256xi1>, vector<256x256xf32>
    %swap3A_171 = arith.constant 1280 : index
    %swap3A_172 = arith.constant 0 : index
    %swap3A_173 = vector.load %arg4[%swap3A_171, %swap3A_172] : memref<8192x256xf32, #tpu.memory_space<vmem>>, vector<256x256xf32>
    tpu.vector_store %arg4[%swap3A_171, %swap3A_172], %select_n3A_170 {strides = array<i32>} : memref<8192x256xf32, #tpu.memory_space<vmem>>, vector<256x256xf32>,
    %slice3A_174 = vector.extract_strided_slice %gt3A {offsets = [0, 6], sizes = [256, 1], strides = [1, 1]} : vector<256x32xi1> to vector<256x1xi1>
    %broadcast_in_dim3A_175 = vector.shape_cast %slice3A_174 : vector<256x1xi1> to vector<256x1xi1>
    %broadcast_in_dim3A_176 = vector.broadcast %broadcast_in_dim3A_175 : vector<256x1xi1> to vector<256x256xi1>
    %select_n3A_177 = arith.select %broadcast_in_dim3A_176, %get3A_25, %get3A_11 : vector<256x256xi1>, vector<256x256xf32>
    %slice3A_178 = vector.extract_strided_slice %gt3A_84 {offsets = [0, 6], sizes = [256, 1], strides = [1, 1]} : vector<256x32xi1> to vector<256x1xi1>
    %broadcast_in_dim3A_179 = vector.shape_cast %slice3A_178 : vector<256x1xi1> to vector<256x1xi1>
    %broadcast_in_dim3A_180 = vector.broadcast %broadcast_in_dim3A_179 : vector<256x1xi1> to vector<256x256xi1>
    %select_n3A_181 = arith.select %broadcast_in_dim3A_180, %get3A_67, %get3A_46 : vector<256x256xi1>, vector<256x256xf32>
    %slice3A_182 = vector.extract_strided_slice %gt3A_86 {offsets = [0, 6], sizes = [256, 1], strides = [1, 1]} : vector<256x32xi1> to vector<256x1xi1>
    %broadcast_in_dim3A_183 = vector.shape_cast %slice3A_182 : vector<256x1xi1> to vector<256x1xi1>
    %broadcast_in_dim3A_184 = vector.broadcast %broadcast_in_dim3A_183 : vector<256x1xi1> to vector<256x256xi1>
    %select_n3A_185 = arith.select %broadcast_in_dim3A_184, %select_n3A_181, %select_n3A_177 : vector<256x256xi1>, vector<256x256xf32>
    %swap3A_186 = arith.constant 1536 : index
    %swap3A_187 = arith.constant 0 : index
    %swap3A_188 = vector.load %arg4[%swap3A_186, %swap3A_187] : memref<8192x256xf32, #tpu.memory_space<vmem>>, vector<256x256xf32>
    tpu.vector_store %arg4[%swap3A_186, %swap3A_187], %select_n3A_185 {strides = array<i32>} : memref<8192x256xf32, #tpu.memory_space<vmem>>, vector<256x256xf32>,
    %slice3A_189 = vector.extract_strided_slice %gt3A {offsets = [0, 7], sizes = [256, 1], strides = [1, 1]} : vector<256x32xi1> to vector<256x1xi1>
    %broadcast_in_dim3A_190 = vector.shape_cast %slice3A_189 : vector<256x1xi1> to vector<256x1xi1>
    %broadcast_in_dim3A_191 = vector.broadcast %broadcast_in_dim3A_190 : vector<256x1xi1> to vector<256x256xi1>
    %select_n3A_192 = arith.select %broadcast_in_dim3A_191, %get3A_25, %get3A_11 : vector<256x256xi1>, vector<256x256xf32>
    %slice3A_193 = vector.extract_strided_slice %gt3A_84 {offsets = [0, 7], sizes = [256, 1], strides = [1, 1]} : vector<256x32xi1> to vector<256x1xi1>
    %broadcast_in_dim3A_194 = vector.shape_cast %slice3A_193 : vector<256x1xi1> to vector<256x1xi1>
    %broadcast_in_dim3A_195 = vector.broadcast %broadcast_in_dim3A_194 : vector<256x1xi1> to vector<256x256xi1>
    %select_n3A_196 = arith.select %broadcast_in_dim3A_195, %get3A_67, %get3A_46 : vector<256x256xi1>, vector<256x256xf32>
    %slice3A_197 = vector.extract_strided_slice %gt3A_86 {offsets = [0, 7], sizes = [256, 1], strides = [1, 1]} : vector<256x32xi1> to vector<256x1xi1>
    %broadcast_in_dim3A_198 = vector.shape_cast %slice3A_197 : vector<256x1xi1> to vector<256x1xi1>
    %broadcast_in_dim3A_199 = vector.broadcast %broadcast_in_dim3A_198 : vector<256x1xi1> to vector<256x256xi1>
    %select_n3A_200 = arith.select %broadcast_in_dim3A_199, %select_n3A_196, %select_n3A_192 : vector<256x256xi1>, vector<256x256xf32>
    %swap3A_201 = arith.constant 1792 : index
    %swap3A_202 = arith.constant 0 : index
    %swap3A_203 = vector.load %arg4[%swap3A_201, %swap3A_202] : memref<8192x256xf32, #tpu.memory_space<vmem>>, vector<256x256xf32>
    tpu.vector_store %arg4[%swap3A_201, %swap3A_202], %select_n3A_200 {strides = array<i32>} : memref<8192x256xf32, #tpu.memory_space<vmem>>, vector<256x256xf32>,
    %slice3A_204 = vector.extract_strided_slice %gt3A {offsets = [0, 8], sizes = [256, 1], strides = [1, 1]} : vector<256x32xi1> to vector<256x1xi1>
    %broadcast_in_dim3A_205 = vector.shape_cast %slice3A_204 : vector<256x1xi1> to vector<256x1xi1>
    %broadcast_in_dim3A_206 = vector.broadcast %broadcast_in_dim3A_205 : vector<256x1xi1> to vector<256x256xi1>
    %select_n3A_207 = arith.select %broadcast_in_dim3A_206, %get3A_25, %get3A_11 : vector<256x256xi1>, vector<256x256xf32>
    %slice3A_208 = vector.extract_strided_slice %gt3A_84 {offsets = [0, 8], sizes = [256, 1], strides = [1, 1]} : vector<256x32xi1> to vector<256x1xi1>
    %broadcast_in_dim3A_209 = vector.shape_cast %slice3A_208 : vector<256x1xi1> to vector<256x1xi1>
    %broadcast_in_dim3A_210 = vector.broadcast %broadcast_in_dim3A_209 : vector<256x1xi1> to vector<256x256xi1>
    %select_n3A_211 = arith.select %broadcast_in_dim3A_210, %get3A_67, %get3A_46 : vector<256x256xi1>, vector<256x256xf32>
    %slice3A_212 = vector.extract_strided_slice %gt3A_86 {offsets = [0, 8], sizes = [256, 1], strides = [1, 1]} : vector<256x32xi1> to vector<256x1xi1>
    %broadcast_in_dim3A_213 = vector.shape_cast %slice3A_212 : vector<256x1xi1> to vector<256x1xi1>
    %broadcast_in_dim3A_214 = vector.broadcast %broadcast_in_dim3A_213 : vector<256x1xi1> to vector<256x256xi1>
    %select_n3A_215 = arith.select %broadcast_in_dim3A_214, %select_n3A_211, %select_n3A_207 : vector<256x256xi1>, vector<256x256xf32>
    %swap3A_216 = arith.constant 2048 : index
    %swap3A_217 = arith.constant 0 : index
    %swap3A_218 = vector.load %arg4[%swap3A_216, %swap3A_217] : memref<8192x256xf32, #tpu.memory_space<vmem>>, vector<256x256xf32>
    tpu.vector_store %arg4[%swap3A_216, %swap3A_217], %select_n3A_215 {strides = array<i32>} : memref<8192x256xf32, #tpu.memory_space<vmem>>, vector<256x256xf32>,
    %slice3A_219 = vector.extract_strided_slice %gt3A {offsets = [0, 9], sizes = [256, 1], strides = [1, 1]} : vector<256x32xi1> to vector<256x1xi1>
    %broadcast_in_dim3A_220 = vector.shape_cast %slice3A_219 : vector<256x1xi1> to vector<256x1xi1>
    %broadcast_in_dim3A_221 = vector.broadcast %broadcast_in_dim3A_220 : vector<256x1xi1> to vector<256x256xi1>
    %select_n3A_222 = arith.select %broadcast_in_dim3A_221, %get3A_25, %get3A_11 : vector<256x256xi1>, vector<256x256xf32>
    %slice3A_223 = vector.extract_strided_slice %gt3A_84 {offsets = [0, 9], sizes = [256, 1], strides = [1, 1]} : vector<256x32xi1> to vector<256x1xi1>
    %broadcast_in_dim3A_224 = vector.shape_cast %slice3A_223 : vector<256x1xi1> to vector<256x1xi1>
    %broadcast_in_dim3A_225 = vector.broadcast %broadcast_in_dim3A_224 : vector<256x1xi1> to vector<256x256xi1>
    %select_n3A_226 = arith.select %broadcast_in_dim3A_225, %get3A_67, %get3A_46 : vector<256x256xi1>, vector<256x256xf32>
    %slice3A_227 = vector.extract_strided_slice %gt3A_86 {offsets = [0, 9], sizes = [256, 1], strides = [1, 1]} : vector<256x32xi1> to vector<256x1xi1>
    %broadcast_in_dim3A_228 = vector.shape_cast %slice3A_227 : vector<256x1xi1> to vector<256x1xi1>
    %broadcast_in_dim3A_229 = vector.broadcast %broadcast_in_dim3A_228 : vector<256x1xi1> to vector<256x256xi1>
    %select_n3A_230 = arith.select %broadcast_in_dim3A_229, %select_n3A_226, %select_n3A_222 : vector<256x256xi1>, vector<256x256xf32>
    %swap3A_231 = arith.constant 2304 : index
    %swap3A_232 = arith.constant 0 : index
    %swap3A_233 = vector.load %arg4[%swap3A_231, %swap3A_232] : memref<8192x256xf32, #tpu.memory_space<vmem>>, vector<256x256xf32>
    tpu.vector_store %arg4[%swap3A_231, %swap3A_232], %select_n3A_230 {strides = array<i32>} : memref<8192x256xf32, #tpu.memory_space<vmem>>, vector<256x256xf32>,
    %slice3A_234 = vector.extract_strided_slice %gt3A {offsets = [0, 10], sizes = [256, 1], strides = [1, 1]} : vector<256x32xi1> to vector<256x1xi1>
    %broadcast_in_dim3A_235 = vector.shape_cast %slice3A_234 : vector<256x1xi1> to vector<256x1xi1>
    %broadcast_in_dim3A_236 = vector.broadcast %broadcast_in_dim3A_235 : vector<256x1xi1> to vector<256x256xi1>
    %select_n3A_237 = arith.select %broadcast_in_dim3A_236, %get3A_25, %get3A_11 : vector<256x256xi1>, vector<256x256xf32>
    %slice3A_238 = vector.extract_strided_slice %gt3A_84 {offsets = [0, 10], sizes = [256, 1], strides = [1, 1]} : vector<256x32xi1> to vector<256x1xi1>
    %broadcast_in_dim3A_239 = vector.shape_cast %slice3A_238 : vector<256x1xi1> to vector<256x1xi1>
    %broadcast_in_dim3A_240 = vector.broadcast %broadcast_in_dim3A_239 : vector<256x1xi1> to vector<256x256xi1>
    %select_n3A_241 = arith.select %broadcast_in_dim3A_240, %get3A_67, %get3A_46 : vector<256x256xi1>, vector<256x256xf32>
    %slice3A_242 = vector.extract_strided_slice %gt3A_86 {offsets = [0, 10], sizes = [256, 1], strides = [1, 1]} : vector<256x32xi1> to vector<256x1xi1>
    %broadcast_in_dim3A_243 = vector.shape_cast %slice3A_242 : vector<256x1xi1> to vector<256x1xi1>
    %broadcast_in_dim3A_244 = vector.broadcast %broadcast_in_dim3A_243 : vector<256x1xi1> to vector<256x256xi1>
    %select_n3A_245 = arith.select %broadcast_in_dim3A_244, %select_n3A_241, %select_n3A_237 : vector<256x256xi1>, vector<256x256xf32>
    %swap3A_246 = arith.constant 2560 : index
    %swap3A_247 = arith.constant 0 : index
    %swap3A_248 = vector.load %arg4[%swap3A_246, %swap3A_247] : memref<8192x256xf32, #tpu.memory_space<vmem>>, vector<256x256xf32>
    tpu.vector_store %arg4[%swap3A_246, %swap3A_247], %select_n3A_245 {strides = array<i32>} : memref<8192x256xf32, #tpu.memory_space<vmem>>, vector<256x256xf32>,
    %slice3A_249 = vector.extract_strided_slice %gt3A {offsets = [0, 11], sizes = [256, 1], strides = [1, 1]} : vector<256x32xi1> to vector<256x1xi1>
    %broadcast_in_dim3A_250 = vector.shape_cast %slice3A_249 : vector<256x1xi1> to vector<256x1xi1>
    %broadcast_in_dim3A_251 = vector.broadcast %broadcast_in_dim3A_250 : vector<256x1xi1> to vector<256x256xi1>
    %select_n3A_252 = arith.select %broadcast_in_dim3A_251, %get3A_25, %get3A_11 : vector<256x256xi1>, vector<256x256xf32>
    %slice3A_253 = vector.extract_strided_slice %gt3A_84 {offsets = [0, 11], sizes = [256, 1], strides = [1, 1]} : vector<256x32xi1> to vector<256x1xi1>
    %broadcast_in_dim3A_254 = vector.shape_cast %slice3A_253 : vector<256x1xi1> to vector<256x1xi1>
    %broadcast_in_dim3A_255 = vector.broadcast %broadcast_in_dim3A_254 : vector<256x1xi1> to vector<256x256xi1>
    %select_n3A_256 = arith.select %broadcast_in_dim3A_255, %get3A_67, %get3A_46 : vector<256x256xi1>, vector<256x256xf32>
    %slice3A_257 = vector.extract_strided_slice %gt3A_86 {offsets = [0, 11], sizes = [256, 1], strides = [1, 1]} : vector<256x32xi1> to vector<256x1xi1>
    %broadcast_in_dim3A_258 = vector.shape_cast %slice3A_257 : vector<256x1xi1> to vector<256x1xi1>
    %broadcast_in_dim3A_259 = vector.broadcast %broadcast_in_dim3A_258 : vector<256x1xi1> to vector<256x256xi1>
    %select_n3A_260 = arith.select %broadcast_in_dim3A_259, %select_n3A_256, %select_n3A_252 : vector<256x256xi1>, vector<256x256xf32>
    %swap3A_261 = arith.constant 2816 : index
    %swap3A_262 = arith.constant 0 : index
    %swap3A_263 = vector.load %arg4[%swap3A_261, %swap3A_262] : memref<8192x256xf32, #tpu.memory_space<vmem>>, vector<256x256xf32>
    tpu.vector_store %arg4[%swap3A_261, %swap3A_262], %select_n3A_260 {strides = array<i32>} : memref<8192x256xf32, #tpu.memory_space<vmem>>, vector<256x256xf32>,
    %slice3A_264 = vector.extract_strided_slice %gt3A {offsets = [0, 12], sizes = [256, 1], strides = [1, 1]} : vector<256x32xi1> to vector<256x1xi1>
    %broadcast_in_dim3A_265 = vector.shape_cast %slice3A_264 : vector<256x1xi1> to vector<256x1xi1>
    %broadcast_in_dim3A_266 = vector.broadcast %broadcast_in_dim3A_265 : vector<256x1xi1> to vector<256x256xi1>
    %select_n3A_267 = arith.select %broadcast_in_dim3A_266, %get3A_25, %get3A_11 : vector<256x256xi1>, vector<256x256xf32>
    %slice3A_268 = vector.extract_strided_slice %gt3A_84 {offsets = [0, 12], sizes = [256, 1], strides = [1, 1]} : vector<256x32xi1> to vector<256x1xi1>
    %broadcast_in_dim3A_269 = vector.shape_cast %slice3A_268 : vector<256x1xi1> to vector<256x1xi1>
    %broadcast_in_dim3A_270 = vector.broadcast %broadcast_in_dim3A_269 : vector<256x1xi1> to vector<256x256xi1>
    %select_n3A_271 = arith.select %broadcast_in_dim3A_270, %get3A_67, %get3A_46 : vector<256x256xi1>, vector<256x256xf32>
    %slice3A_272 = vector.extract_strided_slice %gt3A_86 {offsets = [0, 12], sizes = [256, 1], strides = [1, 1]} : vector<256x32xi1> to vector<256x1xi1>
    %broadcast_in_dim3A_273 = vector.shape_cast %slice3A_272 : vector<256x1xi1> to vector<256x1xi1>
    %broadcast_in_dim3A_274 = vector.broadcast %broadcast_in_dim3A_273 : vector<256x1xi1> to vector<256x256xi1>
    %select_n3A_275 = arith.select %broadcast_in_dim3A_274, %select_n3A_271, %select_n3A_267 : vector<256x256xi1>, vector<256x256xf32>
    %swap3A_276 = arith.constant 3072 : index
    %swap3A_277 = arith.constant 0 : index
    %swap3A_278 = vector.load %arg4[%swap3A_276, %swap3A_277] : memref<8192x256xf32, #tpu.memory_space<vmem>>, vector<256x256xf32>
    tpu.vector_store %arg4[%swap3A_276, %swap3A_277], %select_n3A_275 {strides = array<i32>} : memref<8192x256xf32, #tpu.memory_space<vmem>>, vector<256x256xf32>,
    %slice3A_279 = vector.extract_strided_slice %gt3A {offsets = [0, 13], sizes = [256, 1], strides = [1, 1]} : vector<256x32xi1> to vector<256x1xi1>
    %broadcast_in_dim3A_280 = vector.shape_cast %slice3A_279 : vector<256x1xi1> to vector<256x1xi1>
    %broadcast_in_dim3A_281 = vector.broadcast %broadcast_in_dim3A_280 : vector<256x1xi1> to vector<256x256xi1>
    %select_n3A_282 = arith.select %broadcast_in_dim3A_281, %get3A_25, %get3A_11 : vector<256x256xi1>, vector<256x256xf32>
    %slice3A_283 = vector.extract_strided_slice %gt3A_84 {offsets = [0, 13], sizes = [256, 1], strides = [1, 1]} : vector<256x32xi1> to vector<256x1xi1>
    %broadcast_in_dim3A_284 = vector.shape_cast %slice3A_283 : vector<256x1xi1> to vector<256x1xi1>
    %broadcast_in_dim3A_285 = vector.broadcast %broadcast_in_dim3A_284 : vector<256x1xi1> to vector<256x256xi1>
    %select_n3A_286 = arith.select %broadcast_in_dim3A_285, %get3A_67, %get3A_46 : vector<256x256xi1>, vector<256x256xf32>
    %slice3A_287 = vector.extract_strided_slice %gt3A_86 {offsets = [0, 13], sizes = [256, 1], strides = [1, 1]} : vector<256x32xi1> to vector<256x1xi1>
    %broadcast_in_dim3A_288 = vector.shape_cast %slice3A_287 : vector<256x1xi1> to vector<256x1xi1>
    %broadcast_in_dim3A_289 = vector.broadcast %broadcast_in_dim3A_288 : vector<256x1xi1> to vector<256x256xi1>
    %select_n3A_290 = arith.select %broadcast_in_dim3A_289, %select_n3A_286, %select_n3A_282 : vector<256x256xi1>, vector<256x256xf32>
    %swap3A_291 = arith.constant 3328 : index
    %swap3A_292 = arith.constant 0 : index
    %swap3A_293 = vector.load %arg4[%swap3A_291, %swap3A_292] : memref<8192x256xf32, #tpu.memory_space<vmem>>, vector<256x256xf32>
    tpu.vector_store %arg4[%swap3A_291, %swap3A_292], %select_n3A_290 {strides = array<i32>} : memref<8192x256xf32, #tpu.memory_space<vmem>>, vector<256x256xf32>,
    %slice3A_294 = vector.extract_strided_slice %gt3A {offsets = [0, 14], sizes = [256, 1], strides = [1, 1]} : vector<256x32xi1> to vector<256x1xi1>
    %broadcast_in_dim3A_295 = vector.shape_cast %slice3A_294 : vector<256x1xi1> to vector<256x1xi1>
    %broadcast_in_dim3A_296 = vector.broadcast %broadcast_in_dim3A_295 : vector<256x1xi1> to vector<256x256xi1>
    %select_n3A_297 = arith.select %broadcast_in_dim3A_296, %get3A_25, %get3A_11 : vector<256x256xi1>, vector<256x256xf32>
    %slice3A_298 = vector.extract_strided_slice %gt3A_84 {offsets = [0, 14], sizes = [256, 1], strides = [1, 1]} : vector<256x32xi1> to vector<256x1xi1>
    %broadcast_in_dim3A_299 = vector.shape_cast %slice3A_298 : vector<256x1xi1> to vector<256x1xi1>
    %broadcast_in_dim3A_300 = vector.broadcast %broadcast_in_dim3A_299 : vector<256x1xi1> to vector<256x256xi1>
    %select_n3A_301 = arith.select %broadcast_in_dim3A_300, %get3A_67, %get3A_46 : vector<256x256xi1>, vector<256x256xf32>
    %slice3A_302 = vector.extract_strided_slice %gt3A_86 {offsets = [0, 14], sizes = [256, 1], strides = [1, 1]} : vector<256x32xi1> to vector<256x1xi1>
    %broadcast_in_dim3A_303 = vector.shape_cast %slice3A_302 : vector<256x1xi1> to vector<256x1xi1>
    %broadcast_in_dim3A_304 = vector.broadcast %broadcast_in_dim3A_303 : vector<256x1xi1> to vector<256x256xi1>
    %select_n3A_305 = arith.select %broadcast_in_dim3A_304, %select_n3A_301, %select_n3A_297 : vector<256x256xi1>, vector<256x256xf32>
    %swap3A_306 = arith.constant 3584 : index
    %swap3A_307 = arith.constant 0 : index
    %swap3A_308 = vector.load %arg4[%swap3A_306, %swap3A_307] : memref<8192x256xf32, #tpu.memory_space<vmem>>, vector<256x256xf32>
    tpu.vector_store %arg4[%swap3A_306, %swap3A_307], %select_n3A_305 {strides = array<i32>} : memref<8192x256xf32, #tpu.memory_space<vmem>>, vector<256x256xf32>,
    %slice3A_309 = vector.extract_strided_slice %gt3A {offsets = [0, 15], sizes = [256, 1], strides = [1, 1]} : vector<256x32xi1> to vector<256x1xi1>
    %broadcast_in_dim3A_310 = vector.shape_cast %slice3A_309 : vector<256x1xi1> to vector<256x1xi1>
    %broadcast_in_dim3A_311 = vector.broadcast %broadcast_in_dim3A_310 : vector<256x1xi1> to vector<256x256xi1>
    %select_n3A_312 = arith.select %broadcast_in_dim3A_311, %get3A_25, %get3A_11 : vector<256x256xi1>, vector<256x256xf32>
    %slice3A_313 = vector.extract_strided_slice %gt3A_84 {offsets = [0, 15], sizes = [256, 1], strides = [1, 1]} : vector<256x32xi1> to vector<256x1xi1>
    %broadcast_in_dim3A_314 = vector.shape_cast %slice3A_313 : vector<256x1xi1> to vector<256x1xi1>
    %broadcast_in_dim3A_315 = vector.broadcast %broadcast_in_dim3A_314 : vector<256x1xi1> to vector<256x256xi1>
    %select_n3A_316 = arith.select %broadcast_in_dim3A_315, %get3A_67, %get3A_46 : vector<256x256xi1>, vector<256x256xf32>
    %slice3A_317 = vector.extract_strided_slice %gt3A_86 {offsets = [0, 15], sizes = [256, 1], strides = [1, 1]} : vector<256x32xi1> to vector<256x1xi1>
    %broadcast_in_dim3A_318 = vector.shape_cast %slice3A_317 : vector<256x1xi1> to vector<256x1xi1>
    %broadcast_in_dim3A_319 = vector.broadcast %broadcast_in_dim3A_318 : vector<256x1xi1> to vector<256x256xi1>
    %select_n3A_320 = arith.select %broadcast_in_dim3A_319, %select_n3A_316, %select_n3A_312 : vector<256x256xi1>, vector<256x256xf32>
    %swap3A_321 = arith.constant 3840 : index
    %swap3A_322 = arith.constant 0 : index
    %swap3A_323 = vector.load %arg4[%swap3A_321, %swap3A_322] : memref<8192x256xf32, #tpu.memory_space<vmem>>, vector<256x256xf32>
    tpu.vector_store %arg4[%swap3A_321, %swap3A_322], %select_n3A_320 {strides = array<i32>} : memref<8192x256xf32, #tpu.memory_space<vmem>>, vector<256x256xf32>,
    %slice3A_324 = vector.extract_strided_slice %gt3A {offsets = [0, 16], sizes = [256, 1], strides = [1, 1]} : vector<256x32xi1> to vector<256x1xi1>
    %broadcast_in_dim3A_325 = vector.shape_cast %slice3A_324 : vector<256x1xi1> to vector<256x1xi1>
    %broadcast_in_dim3A_326 = vector.broadcast %broadcast_in_dim3A_325 : vector<256x1xi1> to vector<256x256xi1>
    %select_n3A_327 = arith.select %broadcast_in_dim3A_326, %get3A_25, %get3A_11 : vector<256x256xi1>, vector<256x256xf32>
    %slice3A_328 = vector.extract_strided_slice %gt3A_84 {offsets = [0, 16], sizes = [256, 1], strides = [1, 1]} : vector<256x32xi1> to vector<256x1xi1>
    %broadcast_in_dim3A_329 = vector.shape_cast %slice3A_328 : vector<256x1xi1> to vector<256x1xi1>
    %broadcast_in_dim3A_330 = vector.broadcast %broadcast_in_dim3A_329 : vector<256x1xi1> to vector<256x256xi1>
    %select_n3A_331 = arith.select %broadcast_in_dim3A_330, %get3A_67, %get3A_46 : vector<256x256xi1>, vector<256x256xf32>
    %slice3A_332 = vector.extract_strided_slice %gt3A_86 {offsets = [0, 16], sizes = [256, 1], strides = [1, 1]} : vector<256x32xi1> to vector<256x1xi1>
    %broadcast_in_dim3A_333 = vector.shape_cast %slice3A_332 : vector<256x1xi1> to vector<256x1xi1>
    %broadcast_in_dim3A_334 = vector.broadcast %broadcast_in_dim3A_333 : vector<256x1xi1> to vector<256x256xi1>
    %select_n3A_335 = arith.select %broadcast_in_dim3A_334, %select_n3A_331, %select_n3A_327 : vector<256x256xi1>, vector<256x256xf32>
    %swap3A_336 = arith.constant 4096 : index
    %swap3A_337 = arith.constant 0 : index
    %swap3A_338 = vector.load %arg4[%swap3A_336, %swap3A_337] : memref<8192x256xf32, #tpu.memory_space<vmem>>, vector<256x256xf32>
    tpu.vector_store %arg4[%swap3A_336, %swap3A_337], %select_n3A_335 {strides = array<i32>} : memref<8192x256xf32, #tpu.memory_space<vmem>>, vector<256x256xf32>,
    %slice3A_339 = vector.extract_strided_slice %gt3A {offsets = [0, 17], sizes = [256, 1], strides = [1, 1]} : vector<256x32xi1> to vector<256x1xi1>
    %broadcast_in_dim3A_340 = vector.shape_cast %slice3A_339 : vector<256x1xi1> to vector<256x1xi1>
    %broadcast_in_dim3A_341 = vector.broadcast %broadcast_in_dim3A_340 : vector<256x1xi1> to vector<256x256xi1>
    %select_n3A_342 = arith.select %broadcast_in_dim3A_341, %get3A_25, %get3A_11 : vector<256x256xi1>, vector<256x256xf32>
    %slice3A_343 = vector.extract_strided_slice %gt3A_84 {offsets = [0, 17], sizes = [256, 1], strides = [1, 1]} : vector<256x32xi1> to vector<256x1xi1>
    %broadcast_in_dim3A_344 = vector.shape_cast %slice3A_343 : vector<256x1xi1> to vector<256x1xi1>
    %broadcast_in_dim3A_345 = vector.broadcast %broadcast_in_dim3A_344 : vector<256x1xi1> to vector<256x256xi1>
    %select_n3A_346 = arith.select %broadcast_in_dim3A_345, %get3A_67, %get3A_46 : vector<256x256xi1>, vector<256x256xf32>
    %slice3A_347 = vector.extract_strided_slice %gt3A_86 {offsets = [0, 17], sizes = [256, 1], strides = [1, 1]} : vector<256x32xi1> to vector<256x1xi1>
    %broadcast_in_dim3A_348 = vector.shape_cast %slice3A_347 : vector<256x1xi1> to vector<256x1xi1>
    %broadcast_in_dim3A_349 = vector.broadcast %broadcast_in_dim3A_348 : vector<256x1xi1> to vector<256x256xi1>
    %select_n3A_350 = arith.select %broadcast_in_dim3A_349, %select_n3A_346, %select_n3A_342 : vector<256x256xi1>, vector<256x256xf32>
    %swap3A_351 = arith.constant 4352 : index
    %swap3A_352 = arith.constant 0 : index
    %swap3A_353 = vector.load %arg4[%swap3A_351, %swap3A_352] : memref<8192x256xf32, #tpu.memory_space<vmem>>, vector<256x256xf32>
    tpu.vector_store %arg4[%swap3A_351, %swap3A_352], %select_n3A_350 {strides = array<i32>} : memref<8192x256xf32, #tpu.memory_space<vmem>>, vector<256x256xf32>,
    %slice3A_354 = vector.extract_strided_slice %gt3A {offsets = [0, 18], sizes = [256, 1], strides = [1, 1]} : vector<256x32xi1> to vector<256x1xi1>
    %broadcast_in_dim3A_355 = vector.shape_cast %slice3A_354 : vector<256x1xi1> to vector<256x1xi1>
    %broadcast_in_dim3A_356 = vector.broadcast %broadcast_in_dim3A_355 : vector<256x1xi1> to vector<256x256xi1>
    %select_n3A_357 = arith.select %broadcast_in_dim3A_356, %get3A_25, %get3A_11 : vector<256x256xi1>, vector<256x256xf32>
    %slice3A_358 = vector.extract_strided_slice %gt3A_84 {offsets = [0, 18], sizes = [256, 1], strides = [1, 1]} : vector<256x32xi1> to vector<256x1xi1>
    %broadcast_in_dim3A_359 = vector.shape_cast %slice3A_358 : vector<256x1xi1> to vector<256x1xi1>
    %broadcast_in_dim3A_360 = vector.broadcast %broadcast_in_dim3A_359 : vector<256x1xi1> to vector<256x256xi1>
    %select_n3A_361 = arith.select %broadcast_in_dim3A_360, %get3A_67, %get3A_46 : vector<256x256xi1>, vector<256x256xf32>
    %slice3A_362 = vector.extract_strided_slice %gt3A_86 {offsets = [0, 18], sizes = [256, 1], strides = [1, 1]} : vector<256x32xi1> to vector<256x1xi1>
    %broadcast_in_dim3A_363 = vector.shape_cast %slice3A_362 : vector<256x1xi1> to vector<256x1xi1>
    %broadcast_in_dim3A_364 = vector.broadcast %broadcast_in_dim3A_363 : vector<256x1xi1> to vector<256x256xi1>
    %select_n3A_365 = arith.select %broadcast_in_dim3A_364, %select_n3A_361, %select_n3A_357 : vector<256x256xi1>, vector<256x256xf32>
    %swap3A_366 = arith.constant 4608 : index
    %swap3A_367 = arith.constant 0 : index
    %swap3A_368 = vector.load %arg4[%swap3A_366, %swap3A_367] : memref<8192x256xf32, #tpu.memory_space<vmem>>, vector<256x256xf32>
    tpu.vector_store %arg4[%swap3A_366, %swap3A_367], %select_n3A_365 {strides = array<i32>} : memref<8192x256xf32, #tpu.memory_space<vmem>>, vector<256x256xf32>,
    %slice3A_369 = vector.extract_strided_slice %gt3A {offsets = [0, 19], sizes = [256, 1], strides = [1, 1]} : vector<256x32xi1> to vector<256x1xi1>
    %broadcast_in_dim3A_370 = vector.shape_cast %slice3A_369 : vector<256x1xi1> to vector<256x1xi1>
    %broadcast_in_dim3A_371 = vector.broadcast %broadcast_in_dim3A_370 : vector<256x1xi1> to vector<256x256xi1>
    %select_n3A_372 = arith.select %broadcast_in_dim3A_371, %get3A_25, %get3A_11 : vector<256x256xi1>, vector<256x256xf32>
    %slice3A_373 = vector.extract_strided_slice %gt3A_84 {offsets = [0, 19], sizes = [256, 1], strides = [1, 1]} : vector<256x32xi1> to vector<256x1xi1>
    %broadcast_in_dim3A_374 = vector.shape_cast %slice3A_373 : vector<256x1xi1> to vector<256x1xi1>
    %broadcast_in_dim3A_375 = vector.broadcast %broadcast_in_dim3A_374 : vector<256x1xi1> to vector<256x256xi1>
    %select_n3A_376 = arith.select %broadcast_in_dim3A_375, %get3A_67, %get3A_46 : vector<256x256xi1>, vector<256x256xf32>
    %slice3A_377 = vector.extract_strided_slice %gt3A_86 {offsets = [0, 19], sizes = [256, 1], strides = [1, 1]} : vector<256x32xi1> to vector<256x1xi1>
    %broadcast_in_dim3A_378 = vector.shape_cast %slice3A_377 : vector<256x1xi1> to vector<256x1xi1>
    %broadcast_in_dim3A_379 = vector.broadcast %broadcast_in_dim3A_378 : vector<256x1xi1> to vector<256x256xi1>
    %select_n3A_380 = arith.select %broadcast_in_dim3A_379, %select_n3A_376, %select_n3A_372 : vector<256x256xi1>, vector<256x256xf32>
    %swap3A_381 = arith.constant 4864 : index
    %swap3A_382 = arith.constant 0 : index
    %swap3A_383 = vector.load %arg4[%swap3A_381, %swap3A_382] : memref<8192x256xf32, #tpu.memory_space<vmem>>, vector<256x256xf32>
    tpu.vector_store %arg4[%swap3A_381, %swap3A_382], %select_n3A_380 {strides = array<i32>} : memref<8192x256xf32, #tpu.memory_space<vmem>>, vector<256x256xf32>,
    %slice3A_384 = vector.extract_strided_slice %gt3A {offsets = [0, 20], sizes = [256, 1], strides = [1, 1]} : vector<256x32xi1> to vector<256x1xi1>
    %broadcast_in_dim3A_385 = vector.shape_cast %slice3A_384 : vector<256x1xi1> to vector<256x1xi1>
    %broadcast_in_dim3A_386 = vector.broadcast %broadcast_in_dim3A_385 : vector<256x1xi1> to vector<256x256xi1>
    %select_n3A_387 = arith.select %broadcast_in_dim3A_386, %get3A_25, %get3A_11 : vector<256x256xi1>, vector<256x256xf32>
    %slice3A_388 = vector.extract_strided_slice %gt3A_84 {offsets = [0, 20], sizes = [256, 1], strides = [1, 1]} : vector<256x32xi1> to vector<256x1xi1>
    %broadcast_in_dim3A_389 = vector.shape_cast %slice3A_388 : vector<256x1xi1> to vector<256x1xi1>
    %broadcast_in_dim3A_390 = vector.broadcast %broadcast_in_dim3A_389 : vector<256x1xi1> to vector<256x256xi1>
    %select_n3A_391 = arith.select %broadcast_in_dim3A_390, %get3A_67, %get3A_46 : vector<256x256xi1>, vector<256x256xf32>
    %slice3A_392 = vector.extract_strided_slice %gt3A_86 {offsets = [0, 20], sizes = [256, 1], strides = [1, 1]} : vector<256x32xi1> to vector<256x1xi1>
    %broadcast_in_dim3A_393 = vector.shape_cast %slice3A_392 : vector<256x1xi1> to vector<256x1xi1>
    %broadcast_in_dim3A_394 = vector.broadcast %broadcast_in_dim3A_393 : vector<256x1xi1> to vector<256x256xi1>
    %select_n3A_395 = arith.select %broadcast_in_dim3A_394, %select_n3A_391, %select_n3A_387 : vector<256x256xi1>, vector<256x256xf32>
    %swap3A_396 = arith.constant 5120 : index
    %swap3A_397 = arith.constant 0 : index
    %swap3A_398 = vector.load %arg4[%swap3A_396, %swap3A_397] : memref<8192x256xf32, #tpu.memory_space<vmem>>, vector<256x256xf32>
    tpu.vector_store %arg4[%swap3A_396, %swap3A_397], %select_n3A_395 {strides = array<i32>} : memref<8192x256xf32, #tpu.memory_space<vmem>>, vector<256x256xf32>,
    %slice3A_399 = vector.extract_strided_slice %gt3A {offsets = [0, 21], sizes = [256, 1], strides = [1, 1]} : vector<256x32xi1> to vector<256x1xi1>
    %broadcast_in_dim3A_400 = vector.shape_cast %slice3A_399 : vector<256x1xi1> to vector<256x1xi1>
    %broadcast_in_dim3A_401 = vector.broadcast %broadcast_in_dim3A_400 : vector<256x1xi1> to vector<256x256xi1>
    %select_n3A_402 = arith.select %broadcast_in_dim3A_401, %get3A_25, %get3A_11 : vector<256x256xi1>, vector<256x256xf32>
    %slice3A_403 = vector.extract_strided_slice %gt3A_84 {offsets = [0, 21], sizes = [256, 1], strides = [1, 1]} : vector<256x32xi1> to vector<256x1xi1>
    %broadcast_in_dim3A_404 = vector.shape_cast %slice3A_403 : vector<256x1xi1> to vector<256x1xi1>
    %broadcast_in_dim3A_405 = vector.broadcast %broadcast_in_dim3A_404 : vector<256x1xi1> to vector<256x256xi1>
    %select_n3A_406 = arith.select %broadcast_in_dim3A_405, %get3A_67, %get3A_46 : vector<256x256xi1>, vector<256x256xf32>
    %slice3A_407 = vector.extract_strided_slice %gt3A_86 {offsets = [0, 21], sizes = [256, 1], strides = [1, 1]} : vector<256x32xi1> to vector<256x1xi1>
    %broadcast_in_dim3A_408 = vector.shape_cast %slice3A_407 : vector<256x1xi1> to vector<256x1xi1>
    %broadcast_in_dim3A_409 = vector.broadcast %broadcast_in_dim3A_408 : vector<256x1xi1> to vector<256x256xi1>
    %select_n3A_410 = arith.select %broadcast_in_dim3A_409, %select_n3A_406, %select_n3A_402 : vector<256x256xi1>, vector<256x256xf32>
    %swap3A_411 = arith.constant 5376 : index
    %swap3A_412 = arith.constant 0 : index
    %swap3A_413 = vector.load %arg4[%swap3A_411, %swap3A_412] : memref<8192x256xf32, #tpu.memory_space<vmem>>, vector<256x256xf32>
    tpu.vector_store %arg4[%swap3A_411, %swap3A_412], %select_n3A_410 {strides = array<i32>} : memref<8192x256xf32, #tpu.memory_space<vmem>>, vector<256x256xf32>,
    %slice3A_414 = vector.extract_strided_slice %gt3A {offsets = [0, 22], sizes = [256, 1], strides = [1, 1]} : vector<256x32xi1> to vector<256x1xi1>
    %broadcast_in_dim3A_415 = vector.shape_cast %slice3A_414 : vector<256x1xi1> to vector<256x1xi1>
    %broadcast_in_dim3A_416 = vector.broadcast %broadcast_in_dim3A_415 : vector<256x1xi1> to vector<256x256xi1>
    %select_n3A_417 = arith.select %broadcast_in_dim3A_416, %get3A_25, %get3A_11 : vector<256x256xi1>, vector<256x256xf32>
    %slice3A_418 = vector.extract_strided_slice %gt3A_84 {offsets = [0, 22], sizes = [256, 1], strides = [1, 1]} : vector<256x32xi1> to vector<256x1xi1>
    %broadcast_in_dim3A_419 = vector.shape_cast %slice3A_418 : vector<256x1xi1> to vector<256x1xi1>
    %broadcast_in_dim3A_420 = vector.broadcast %broadcast_in_dim3A_419 : vector<256x1xi1> to vector<256x256xi1>
    %select_n3A_421 = arith.select %broadcast_in_dim3A_420, %get3A_67, %get3A_46 : vector<256x256xi1>, vector<256x256xf32>
    %slice3A_422 = vector.extract_strided_slice %gt3A_86 {offsets = [0, 22], sizes = [256, 1], strides = [1, 1]} : vector<256x32xi1> to vector<256x1xi1>
    %broadcast_in_dim3A_423 = vector.shape_cast %slice3A_422 : vector<256x1xi1> to vector<256x1xi1>
    %broadcast_in_dim3A_424 = vector.broadcast %broadcast_in_dim3A_423 : vector<256x1xi1> to vector<256x256xi1>
    %select_n3A_425 = arith.select %broadcast_in_dim3A_424, %select_n3A_421, %select_n3A_417 : vector<256x256xi1>, vector<256x256xf32>
    %swap3A_426 = arith.constant 5632 : index
    %swap3A_427 = arith.constant 0 : index
    %swap3A_428 = vector.load %arg4[%swap3A_426, %swap3A_427] : memref<8192x256xf32, #tpu.memory_space<vmem>>, vector<256x256xf32>
    tpu.vector_store %arg4[%swap3A_426, %swap3A_427], %select_n3A_425 {strides = array<i32>} : memref<8192x256xf32, #tpu.memory_space<vmem>>, vector<256x256xf32>,
    %slice3A_429 = vector.extract_strided_slice %gt3A {offsets = [0, 23], sizes = [256, 1], strides = [1, 1]} : vector<256x32xi1> to vector<256x1xi1>
    %broadcast_in_dim3A_430 = vector.shape_cast %slice3A_429 : vector<256x1xi1> to vector<256x1xi1>
    %broadcast_in_dim3A_431 = vector.broadcast %broadcast_in_dim3A_430 : vector<256x1xi1> to vector<256x256xi1>
    %select_n3A_432 = arith.select %broadcast_in_dim3A_431, %get3A_25, %get3A_11 : vector<256x256xi1>, vector<256x256xf32>
    %slice3A_433 = vector.extract_strided_slice %gt3A_84 {offsets = [0, 23], sizes = [256, 1], strides = [1, 1]} : vector<256x32xi1> to vector<256x1xi1>
    %broadcast_in_dim3A_434 = vector.shape_cast %slice3A_433 : vector<256x1xi1> to vector<256x1xi1>
    %broadcast_in_dim3A_435 = vector.broadcast %broadcast_in_dim3A_434 : vector<256x1xi1> to vector<256x256xi1>
    %select_n3A_436 = arith.select %broadcast_in_dim3A_435, %get3A_67, %get3A_46 : vector<256x256xi1>, vector<256x256xf32>
    %slice3A_437 = vector.extract_strided_slice %gt3A_86 {offsets = [0, 23], sizes = [256, 1], strides = [1, 1]} : vector<256x32xi1> to vector<256x1xi1>
    %broadcast_in_dim3A_438 = vector.shape_cast %slice3A_437 : vector<256x1xi1> to vector<256x1xi1>
    %broadcast_in_dim3A_439 = vector.broadcast %broadcast_in_dim3A_438 : vector<256x1xi1> to vector<256x256xi1>
    %select_n3A_440 = arith.select %broadcast_in_dim3A_439, %select_n3A_436, %select_n3A_432 : vector<256x256xi1>, vector<256x256xf32>
    %swap3A_441 = arith.constant 5888 : index
    %swap3A_442 = arith.constant 0 : index
    %swap3A_443 = vector.load %arg4[%swap3A_441, %swap3A_442] : memref<8192x256xf32, #tpu.memory_space<vmem>>, vector<256x256xf32>
    tpu.vector_store %arg4[%swap3A_441, %swap3A_442], %select_n3A_440 {strides = array<i32>} : memref<8192x256xf32, #tpu.memory_space<vmem>>, vector<256x256xf32>,
    %slice3A_444 = vector.extract_strided_slice %gt3A {offsets = [0, 24], sizes = [256, 1], strides = [1, 1]} : vector<256x32xi1> to vector<256x1xi1>
    %broadcast_in_dim3A_445 = vector.shape_cast %slice3A_444 : vector<256x1xi1> to vector<256x1xi1>
    %broadcast_in_dim3A_446 = vector.broadcast %broadcast_in_dim3A_445 : vector<256x1xi1> to vector<256x256xi1>
    %select_n3A_447 = arith.select %broadcast_in_dim3A_446, %get3A_25, %get3A_11 : vector<256x256xi1>, vector<256x256xf32>
    %slice3A_448 = vector.extract_strided_slice %gt3A_84 {offsets = [0, 24], sizes = [256, 1], strides = [1, 1]} : vector<256x32xi1> to vector<256x1xi1>
    %broadcast_in_dim3A_449 = vector.shape_cast %slice3A_448 : vector<256x1xi1> to vector<256x1xi1>
    %broadcast_in_dim3A_450 = vector.broadcast %broadcast_in_dim3A_449 : vector<256x1xi1> to vector<256x256xi1>
    %select_n3A_451 = arith.select %broadcast_in_dim3A_450, %get3A_67, %get3A_46 : vector<256x256xi1>, vector<256x256xf32>
    %slice3A_452 = vector.extract_strided_slice %gt3A_86 {offsets = [0, 24], sizes = [256, 1], strides = [1, 1]} : vector<256x32xi1> to vector<256x1xi1>
    %broadcast_in_dim3A_453 = vector.shape_cast %slice3A_452 : vector<256x1xi1> to vector<256x1xi1>
    %broadcast_in_dim3A_454 = vector.broadcast %broadcast_in_dim3A_453 : vector<256x1xi1> to vector<256x256xi1>
    %select_n3A_455 = arith.select %broadcast_in_dim3A_454, %select_n3A_451, %select_n3A_447 : vector<256x256xi1>, vector<256x256xf32>
    %swap3A_456 = arith.constant 6144 : index
    %swap3A_457 = arith.constant 0 : index
    %swap3A_458 = vector.load %arg4[%swap3A_456, %swap3A_457] : memref<8192x256xf32, #tpu.memory_space<vmem>>, vector<256x256xf32>
    tpu.vector_store %arg4[%swap3A_456, %swap3A_457], %select_n3A_455 {strides = array<i32>} : memref<8192x256xf32, #tpu.memory_space<vmem>>, vector<256x256xf32>,
    %slice3A_459 = vector.extract_strided_slice %gt3A {offsets = [0, 25], sizes = [256, 1], strides = [1, 1]} : vector<256x32xi1> to vector<256x1xi1>
    %broadcast_in_dim3A_460 = vector.shape_cast %slice3A_459 : vector<256x1xi1> to vector<256x1xi1>
    %broadcast_in_dim3A_461 = vector.broadcast %broadcast_in_dim3A_460 : vector<256x1xi1> to vector<256x256xi1>
    %select_n3A_462 = arith.select %broadcast_in_dim3A_461, %get3A_25, %get3A_11 : vector<256x256xi1>, vector<256x256xf32>
    %slice3A_463 = vector.extract_strided_slice %gt3A_84 {offsets = [0, 25], sizes = [256, 1], strides = [1, 1]} : vector<256x32xi1> to vector<256x1xi1>
    %broadcast_in_dim3A_464 = vector.shape_cast %slice3A_463 : vector<256x1xi1> to vector<256x1xi1>
    %broadcast_in_dim3A_465 = vector.broadcast %broadcast_in_dim3A_464 : vector<256x1xi1> to vector<256x256xi1>
    %select_n3A_466 = arith.select %broadcast_in_dim3A_465, %get3A_67, %get3A_46 : vector<256x256xi1>, vector<256x256xf32>
    %slice3A_467 = vector.extract_strided_slice %gt3A_86 {offsets = [0, 25], sizes = [256, 1], strides = [1, 1]} : vector<256x32xi1> to vector<256x1xi1>
    %broadcast_in_dim3A_468 = vector.shape_cast %slice3A_467 : vector<256x1xi1> to vector<256x1xi1>
    %broadcast_in_dim3A_469 = vector.broadcast %broadcast_in_dim3A_468 : vector<256x1xi1> to vector<256x256xi1>
    %select_n3A_470 = arith.select %broadcast_in_dim3A_469, %select_n3A_466, %select_n3A_462 : vector<256x256xi1>, vector<256x256xf32>
    %swap3A_471 = arith.constant 6400 : index
    %swap3A_472 = arith.constant 0 : index
    %swap3A_473 = vector.load %arg4[%swap3A_471, %swap3A_472] : memref<8192x256xf32, #tpu.memory_space<vmem>>, vector<256x256xf32>
    tpu.vector_store %arg4[%swap3A_471, %swap3A_472], %select_n3A_470 {strides = array<i32>} : memref<8192x256xf32, #tpu.memory_space<vmem>>, vector<256x256xf32>,
    %slice3A_474 = vector.extract_strided_slice %gt3A {offsets = [0, 26], sizes = [256, 1], strides = [1, 1]} : vector<256x32xi1> to vector<256x1xi1>
    %broadcast_in_dim3A_475 = vector.shape_cast %slice3A_474 : vector<256x1xi1> to vector<256x1xi1>
    %broadcast_in_dim3A_476 = vector.broadcast %broadcast_in_dim3A_475 : vector<256x1xi1> to vector<256x256xi1>
    %select_n3A_477 = arith.select %broadcast_in_dim3A_476, %get3A_25, %get3A_11 : vector<256x256xi1>, vector<256x256xf32>
    %slice3A_478 = vector.extract_strided_slice %gt3A_84 {offsets = [0, 26], sizes = [256, 1], strides = [1, 1]} : vector<256x32xi1> to vector<256x1xi1>
    %broadcast_in_dim3A_479 = vector.shape_cast %slice3A_478 : vector<256x1xi1> to vector<256x1xi1>
    %broadcast_in_dim3A_480 = vector.broadcast %broadcast_in_dim3A_479 : vector<256x1xi1> to vector<256x256xi1>
    %select_n3A_481 = arith.select %broadcast_in_dim3A_480, %get3A_67, %get3A_46 : vector<256x256xi1>, vector<256x256xf32>
    %slice3A_482 = vector.extract_strided_slice %gt3A_86 {offsets = [0, 26], sizes = [256, 1], strides = [1, 1]} : vector<256x32xi1> to vector<256x1xi1>
    %broadcast_in_dim3A_483 = vector.shape_cast %slice3A_482 : vector<256x1xi1> to vector<256x1xi1>
    %broadcast_in_dim3A_484 = vector.broadcast %broadcast_in_dim3A_483 : vector<256x1xi1> to vector<256x256xi1>
    %select_n3A_485 = arith.select %broadcast_in_dim3A_484, %select_n3A_481, %select_n3A_477 : vector<256x256xi1>, vector<256x256xf32>
    %swap3A_486 = arith.constant 6656 : index
    %swap3A_487 = arith.constant 0 : index
    %swap3A_488 = vector.load %arg4[%swap3A_486, %swap3A_487] : memref<8192x256xf32, #tpu.memory_space<vmem>>, vector<256x256xf32>
    tpu.vector_store %arg4[%swap3A_486, %swap3A_487], %select_n3A_485 {strides = array<i32>} : memref<8192x256xf32, #tpu.memory_space<vmem>>, vector<256x256xf32>,
    %slice3A_489 = vector.extract_strided_slice %gt3A {offsets = [0, 27], sizes = [256, 1], strides = [1, 1]} : vector<256x32xi1> to vector<256x1xi1>
    %broadcast_in_dim3A_490 = vector.shape_cast %slice3A_489 : vector<256x1xi1> to vector<256x1xi1>
    %broadcast_in_dim3A_491 = vector.broadcast %broadcast_in_dim3A_490 : vector<256x1xi1> to vector<256x256xi1>
    %select_n3A_492 = arith.select %broadcast_in_dim3A_491, %get3A_25, %get3A_11 : vector<256x256xi1>, vector<256x256xf32>
    %slice3A_493 = vector.extract_strided_slice %gt3A_84 {offsets = [0, 27], sizes = [256, 1], strides = [1, 1]} : vector<256x32xi1> to vector<256x1xi1>
    %broadcast_in_dim3A_494 = vector.shape_cast %slice3A_493 : vector<256x1xi1> to vector<256x1xi1>
    %broadcast_in_dim3A_495 = vector.broadcast %broadcast_in_dim3A_494 : vector<256x1xi1> to vector<256x256xi1>
    %select_n3A_496 = arith.select %broadcast_in_dim3A_495, %get3A_67, %get3A_46 : vector<256x256xi1>, vector<256x256xf32>
    %slice3A_497 = vector.extract_strided_slice %gt3A_86 {offsets = [0, 27], sizes = [256, 1], strides = [1, 1]} : vector<256x32xi1> to vector<256x1xi1>
    %broadcast_in_dim3A_498 = vector.shape_cast %slice3A_497 : vector<256x1xi1> to vector<256x1xi1>
    %broadcast_in_dim3A_499 = vector.broadcast %broadcast_in_dim3A_498 : vector<256x1xi1> to vector<256x256xi1>
    %select_n3A_500 = arith.select %broadcast_in_dim3A_499, %select_n3A_496, %select_n3A_492 : vector<256x256xi1>, vector<256x256xf32>
    %swap3A_501 = arith.constant 6912 : index
    %swap3A_502 = arith.constant 0 : index
    %swap3A_503 = vector.load %arg4[%swap3A_501, %swap3A_502] : memref<8192x256xf32, #tpu.memory_space<vmem>>, vector<256x256xf32>
    tpu.vector_store %arg4[%swap3A_501, %swap3A_502], %select_n3A_500 {strides = array<i32>} : memref<8192x256xf32, #tpu.memory_space<vmem>>, vector<256x256xf32>,
    %slice3A_504 = vector.extract_strided_slice %gt3A {offsets = [0, 28], sizes = [256, 1], strides = [1, 1]} : vector<256x32xi1> to vector<256x1xi1>
    %broadcast_in_dim3A_505 = vector.shape_cast %slice3A_504 : vector<256x1xi1> to vector<256x1xi1>
    %broadcast_in_dim3A_506 = vector.broadcast %broadcast_in_dim3A_505 : vector<256x1xi1> to vector<256x256xi1>
    %select_n3A_507 = arith.select %broadcast_in_dim3A_506, %get3A_25, %get3A_11 : vector<256x256xi1>, vector<256x256xf32>
    %slice3A_508 = vector.extract_strided_slice %gt3A_84 {offsets = [0, 28], sizes = [256, 1], strides = [1, 1]} : vector<256x32xi1> to vector<256x1xi1>
    %broadcast_in_dim3A_509 = vector.shape_cast %slice3A_508 : vector<256x1xi1> to vector<256x1xi1>
    %broadcast_in_dim3A_510 = vector.broadcast %broadcast_in_dim3A_509 : vector<256x1xi1> to vector<256x256xi1>
    %select_n3A_511 = arith.select %broadcast_in_dim3A_510, %get3A_67, %get3A_46 : vector<256x256xi1>, vector<256x256xf32>
    %slice3A_512 = vector.extract_strided_slice %gt3A_86 {offsets = [0, 28], sizes = [256, 1], strides = [1, 1]} : vector<256x32xi1> to vector<256x1xi1>
    %broadcast_in_dim3A_513 = vector.shape_cast %slice3A_512 : vector<256x1xi1> to vector<256x1xi1>
    %broadcast_in_dim3A_514 = vector.broadcast %broadcast_in_dim3A_513 : vector<256x1xi1> to vector<256x256xi1>
    %select_n3A_515 = arith.select %broadcast_in_dim3A_514, %select_n3A_511, %select_n3A_507 : vector<256x256xi1>, vector<256x256xf32>
    %swap3A_516 = arith.constant 7168 : index
    %swap3A_517 = arith.constant 0 : index
    %swap3A_518 = vector.load %arg4[%swap3A_516, %swap3A_517] : memref<8192x256xf32, #tpu.memory_space<vmem>>, vector<256x256xf32>
    tpu.vector_store %arg4[%swap3A_516, %swap3A_517], %select_n3A_515 {strides = array<i32>} : memref<8192x256xf32, #tpu.memory_space<vmem>>, vector<256x256xf32>,
    %slice3A_519 = vector.extract_strided_slice %gt3A {offsets = [0, 29], sizes = [256, 1], strides = [1, 1]} : vector<256x32xi1> to vector<256x1xi1>
    %broadcast_in_dim3A_520 = vector.shape_cast %slice3A_519 : vector<256x1xi1> to vector<256x1xi1>
    %broadcast_in_dim3A_521 = vector.broadcast %broadcast_in_dim3A_520 : vector<256x1xi1> to vector<256x256xi1>
    %select_n3A_522 = arith.select %broadcast_in_dim3A_521, %get3A_25, %get3A_11 : vector<256x256xi1>, vector<256x256xf32>
    %slice3A_523 = vector.extract_strided_slice %gt3A_84 {offsets = [0, 29], sizes = [256, 1], strides = [1, 1]} : vector<256x32xi1> to vector<256x1xi1>
    %broadcast_in_dim3A_524 = vector.shape_cast %slice3A_523 : vector<256x1xi1> to vector<256x1xi1>
    %broadcast_in_dim3A_525 = vector.broadcast %broadcast_in_dim3A_524 : vector<256x1xi1> to vector<256x256xi1>
    %select_n3A_526 = arith.select %broadcast_in_dim3A_525, %get3A_67, %get3A_46 : vector<256x256xi1>, vector<256x256xf32>
    %slice3A_527 = vector.extract_strided_slice %gt3A_86 {offsets = [0, 29], sizes = [256, 1], strides = [1, 1]} : vector<256x32xi1> to vector<256x1xi1>
    %broadcast_in_dim3A_528 = vector.shape_cast %slice3A_527 : vector<256x1xi1> to vector<256x1xi1>
    %broadcast_in_dim3A_529 = vector.broadcast %broadcast_in_dim3A_528 : vector<256x1xi1> to vector<256x256xi1>
    %select_n3A_530 = arith.select %broadcast_in_dim3A_529, %select_n3A_526, %select_n3A_522 : vector<256x256xi1>, vector<256x256xf32>
    %swap3A_531 = arith.constant 7424 : index
    %swap3A_532 = arith.constant 0 : index
    %swap3A_533 = vector.load %arg4[%swap3A_531, %swap3A_532] : memref<8192x256xf32, #tpu.memory_space<vmem>>, vector<256x256xf32>
    tpu.vector_store %arg4[%swap3A_531, %swap3A_532], %select_n3A_530 {strides = array<i32>} : memref<8192x256xf32, #tpu.memory_space<vmem>>, vector<256x256xf32>,
    %slice3A_534 = vector.extract_strided_slice %gt3A {offsets = [0, 30], sizes = [256, 1], strides = [1, 1]} : vector<256x32xi1> to vector<256x1xi1>
    %broadcast_in_dim3A_535 = vector.shape_cast %slice3A_534 : vector<256x1xi1> to vector<256x1xi1>
    %broadcast_in_dim3A_536 = vector.broadcast %broadcast_in_dim3A_535 : vector<256x1xi1> to vector<256x256xi1>
    %select_n3A_537 = arith.select %broadcast_in_dim3A_536, %get3A_25, %get3A_11 : vector<256x256xi1>, vector<256x256xf32>
    %slice3A_538 = vector.extract_strided_slice %gt3A_84 {offsets = [0, 30], sizes = [256, 1], strides = [1, 1]} : vector<256x32xi1> to vector<256x1xi1>
    %broadcast_in_dim3A_539 = vector.shape_cast %slice3A_538 : vector<256x1xi1> to vector<256x1xi1>
    %broadcast_in_dim3A_540 = vector.broadcast %broadcast_in_dim3A_539 : vector<256x1xi1> to vector<256x256xi1>
    %select_n3A_541 = arith.select %broadcast_in_dim3A_540, %get3A_67, %get3A_46 : vector<256x256xi1>, vector<256x256xf32>
    %slice3A_542 = vector.extract_strided_slice %gt3A_86 {offsets = [0, 30], sizes = [256, 1], strides = [1, 1]} : vector<256x32xi1> to vector<256x1xi1>
    %broadcast_in_dim3A_543 = vector.shape_cast %slice3A_542 : vector<256x1xi1> to vector<256x1xi1>
    %broadcast_in_dim3A_544 = vector.broadcast %broadcast_in_dim3A_543 : vector<256x1xi1> to vector<256x256xi1>
    %select_n3A_545 = arith.select %broadcast_in_dim3A_544, %select_n3A_541, %select_n3A_537 : vector<256x256xi1>, vector<256x256xf32>
    %swap3A_546 = arith.constant 7680 : index
    %swap3A_547 = arith.constant 0 : index
    %swap3A_548 = vector.load %arg4[%swap3A_546, %swap3A_547] : memref<8192x256xf32, #tpu.memory_space<vmem>>, vector<256x256xf32>
    tpu.vector_store %arg4[%swap3A_546, %swap3A_547], %select_n3A_545 {strides = array<i32>} : memref<8192x256xf32, #tpu.memory_space<vmem>>, vector<256x256xf32>,
    %slice3A_549 = vector.extract_strided_slice %gt3A {offsets = [0, 31], sizes = [256, 1], strides = [1, 1]} : vector<256x32xi1> to vector<256x1xi1>
    %broadcast_in_dim3A_550 = vector.shape_cast %slice3A_549 : vector<256x1xi1> to vector<256x1xi1>
    %broadcast_in_dim3A_551 = vector.broadcast %broadcast_in_dim3A_550 : vector<256x1xi1> to vector<256x256xi1>
    %select_n3A_552 = arith.select %broadcast_in_dim3A_551, %get3A_25, %get3A_11 : vector<256x256xi1>, vector<256x256xf32>
    %slice3A_553 = vector.extract_strided_slice %gt3A_84 {offsets = [0, 31], sizes = [256, 1], strides = [1, 1]} : vector<256x32xi1> to vector<256x1xi1>
    %broadcast_in_dim3A_554 = vector.shape_cast %slice3A_553 : vector<256x1xi1> to vector<256x1xi1>
    %broadcast_in_dim3A_555 = vector.broadcast %broadcast_in_dim3A_554 : vector<256x1xi1> to vector<256x256xi1>
    %select_n3A_556 = arith.select %broadcast_in_dim3A_555, %get3A_67, %get3A_46 : vector<256x256xi1>, vector<256x256xf32>
    %slice3A_557 = vector.extract_strided_slice %gt3A_86 {offsets = [0, 31], sizes = [256, 1], strides = [1, 1]} : vector<256x32xi1> to vector<256x1xi1>
    %broadcast_in_dim3A_558 = vector.shape_cast %slice3A_557 : vector<256x1xi1> to vector<256x1xi1>
    %broadcast_in_dim3A_559 = vector.broadcast %broadcast_in_dim3A_558 : vector<256x1xi1> to vector<256x256xi1>
    %select_n3A_560 = arith.select %broadcast_in_dim3A_559, %select_n3A_556, %select_n3A_552 : vector<256x256xi1>, vector<256x256xf32>
    %swap3A_561 = arith.constant 7936 : index
    %swap3A_562 = arith.constant 0 : index
    %swap3A_563 = vector.load %arg4[%swap3A_561, %swap3A_562] : memref<8192x256xf32, #tpu.memory_space<vmem>>, vector<256x256xf32>
    tpu.vector_store %arg4[%swap3A_561, %swap3A_562], %select_n3A_560 {strides = array<i32>} : memref<8192x256xf32, #tpu.memory_space<vmem>>, vector<256x256xf32>,
    return
  }
  func.func @transform_0(%arg0: i32) -> (i32, i32) {
    %c0_i32 = arith.constant 0 : i32
    %c0_i32_0 = arith.constant 0 : i32
    return %arg0, %c0_i32 : i32, i32
  }
  func.func @transform_1(%arg0: i32) -> (i32, i32, i32) {
    %c0_i32 = arith.constant 0 : i32
    %c0_i32_0 = arith.constant 0 : i32
    %c0_i32_1 = arith.constant 0 : i32
    return %arg0, %c0_i32, %c0_i32_0 : i32, i32, i32
  }
  func.func @transform_2(%arg0: i32) -> (i32, i32, i32) {
    %c0_i32 = arith.constant 0 : i32
    %c0_i32_0 = arith.constant 0 : i32
    %c0_i32_1 = arith.constant 0 : i32
    %c0_i32_2 = arith.constant 0 : i32
    return %c0_i32, %c0_i32_0, %c0_i32_1 : i32, i32, i32
  }
  func.func @transform_3(%arg0: i32) -> (i32, i32) {
    %c0_i32 = arith.constant 0 : i32
    %c0_i32_0 = arith.constant 0 : i32
    return %arg0, %c0_i32 : i32, i32
  }
}

module attributes {stable_mosaic.version = 14 : i64} {
  func.func @_main_body(%arg0: i32, %arg1: memref<256x256xf32, #tpu.memory_space<vmem>>, %arg2: memref<256x1xf32, #tpu.memory_space<vmem>>, %arg3: memref<1024x4x256xf32, #tpu.memory_space<vmem>>, %arg4: memref<256x1024xf32, #tpu.memory_space<vmem>>, %arg5: memref<256x1024xf32, #tpu.memory_space<vmem>>, %arg6: memref<256x1xi32, #tpu.memory_space<vmem>>, %arg7: memref<256x1xf32, #tpu.memory_space<vmem>>, %arg8: memref<256x1xi32, #tpu.memory_space<vmem>>) attributes {dimension_semantics = [#tpu.dimension_semantics<arbitrary>], iteration_bounds = array<i64: 8>, scalar_prefetch = 0 : i64, scratch_operands = 2 : i64, tpu.core_type = #tpu.core_type<tc>, window_params = [{pipeline_mode = #tpu.pipeline_mode<synchronous>, transform_indices = @transform_0, window_bounds = array<i64: 256, 256>}, {pipeline_mode = #tpu.pipeline_mode<synchronous>, transform_indices = @transform_1, window_bounds = array<i64: 256, 1>}, {transform_indices = @transform_2, window_bounds = array<i64: 1024, 4, 256>}, {transform_indices = @transform_3, window_bounds = array<i64: 256, 1024>}, {transform_indices = @transform_4, window_bounds = array<i64: 256, 1024>}, {pipeline_mode = #tpu.pipeline_mode<synchronous>, transform_indices = @transform_5, window_bounds = array<i64: 256, 1>}]} {
    %get3A = arith.constant 0 : index
    %get3A_0 = arith.constant 0 : index
    %get3A_1 = vector.load %arg1[%get3A, %get3A_0] : memref<256x256xf32, #tpu.memory_space<vmem>>, vector<256x256xf32>
    %get3A_2 = arith.constant 0 : index
    %get3A_3 = arith.constant 0 : index
    %get3A_4 = vector.load %arg2[%get3A_2, %get3A_3] : memref<256x1xf32, #tpu.memory_space<vmem>>, vector<256x1xf32>
    %broadcast_in_dim3A = arith.constant 1.000000e+00 : f32
    %broadcast_in_dim3A_5 = vector.broadcast %broadcast_in_dim3A : f32 to vector<1x256xf32>
    %get3A_6 = arith.constant 0 : index
    %get3A_7 = arith.constant 0 : index
    %get3A_8 = arith.constant 0 : index
    %get3A_9 = vector.load %arg3[%get3A_6, %get3A_7, %get3A_8] : memref<1024x4x256xf32, #tpu.memory_space<vmem>>, vector<1024x1x256xf32>
    %get3A_10 = vector.shape_cast %get3A_9 : vector<1024x1x256xf32> to vector<1024x256xf32>
    %dot_general3A = arith.constant dense<0.000000e+00> : vector<256x1024xf32>
    %dot_general3A_11 = tpu.matmul %get3A_1, %get3A_10, %dot_general3A {dimension_numbers = #tpu.dot_dimension_numbers<[1], [1], [0], [0], [0, 0, 1, 0], [], []>, transpose_lhs_hint = false} : vector<256x256xf32>, vector<1024x256xf32>, vector<256x1024xf32> -> vector<256x1024xf32>
    %mul3A = arith.mulf %get3A_10, %get3A_10 : vector<1024x256xf32>
    %dot_general3A_12 = arith.constant dense<0.000000e+00> : vector<1x1024xf32>
    %dot_general3A_13 = tpu.matmul %broadcast_in_dim3A_5, %mul3A, %dot_general3A_12 {dimension_numbers = #tpu.dot_dimension_numbers<[1], [1], [0], [0], [0, 0, 1, 0], [], []>, transpose_lhs_hint = false} : vector<1x256xf32>, vector<1024x256xf32>, vector<1x1024xf32> -> vector<1x1024xf32>
    %mul3A_14 = arith.constant 2.000000e+00 : f32
    %mul3A_15 = vector.broadcast %mul3A_14 : f32 to vector<256x1024xf32>
    %mul3A_16 = arith.mulf %mul3A_15, %dot_general3A_11 : vector<256x1024xf32>
    %sub3A = vector.broadcast %get3A_4 : vector<256x1xf32> to vector<256x1024xf32>
    %sub3A_17 = arith.subf %sub3A, %mul3A_16 : vector<256x1024xf32>
    %add3A = vector.broadcast %dot_general3A_13 : vector<1x1024xf32> to vector<256x1024xf32>
    %add3A_18 = arith.addf %sub3A_17, %add3A : vector<256x1024xf32>
    %neg3A = arith.constant 0.000000e+00 : f32
    %neg3A_19 = vector.broadcast %neg3A : f32 to vector<256x1024xf32>
    %neg3A_20 = arith.subf %neg3A_19, %add3A_18 : vector<256x1024xf32>
    %get3A_21 = arith.constant 0 : index
    %get3A_22 = arith.constant 1 : index
    %get3A_23 = arith.constant 0 : index
    %get3A_24 = vector.load %arg3[%get3A_21, %get3A_22, %get3A_23] : memref<1024x4x256xf32, #tpu.memory_space<vmem>>, vector<1024x1x256xf32>
    %get3A_25 = vector.shape_cast %get3A_24 : vector<1024x1x256xf32> to vector<1024x256xf32>
    %dot_general3A_26 = arith.constant dense<0.000000e+00> : vector<256x1024xf32>
    %dot_general3A_27 = tpu.matmul %get3A_1, %get3A_25, %dot_general3A_26 {dimension_numbers = #tpu.dot_dimension_numbers<[1], [1], [0], [0], [0, 0, 1, 0], [], []>, transpose_lhs_hint = false} : vector<256x256xf32>, vector<1024x256xf32>, vector<256x1024xf32> -> vector<256x1024xf32>
    %mul3A_28 = arith.mulf %get3A_25, %get3A_25 : vector<1024x256xf32>
    %dot_general3A_29 = arith.constant dense<0.000000e+00> : vector<1x1024xf32>
    %dot_general3A_30 = tpu.matmul %broadcast_in_dim3A_5, %mul3A_28, %dot_general3A_29 {dimension_numbers = #tpu.dot_dimension_numbers<[1], [1], [0], [0], [0, 0, 1, 0], [], []>, transpose_lhs_hint = false} : vector<1x256xf32>, vector<1024x256xf32>, vector<1x1024xf32> -> vector<1x1024xf32>
    %mul3A_31 = arith.constant 2.000000e+00 : f32
    %mul3A_32 = vector.broadcast %mul3A_31 : f32 to vector<256x1024xf32>
    %mul3A_33 = arith.mulf %mul3A_32, %dot_general3A_27 : vector<256x1024xf32>
    %sub3A_34 = vector.broadcast %get3A_4 : vector<256x1xf32> to vector<256x1024xf32>
    %sub3A_35 = arith.subf %sub3A_34, %mul3A_33 : vector<256x1024xf32>
    %add3A_36 = vector.broadcast %dot_general3A_30 : vector<1x1024xf32> to vector<256x1024xf32>
    %add3A_37 = arith.addf %sub3A_35, %add3A_36 : vector<256x1024xf32>
    %neg3A_38 = arith.constant 0.000000e+00 : f32
    %neg3A_39 = vector.broadcast %neg3A_38 : f32 to vector<256x1024xf32>
    %neg3A_40 = arith.subf %neg3A_39, %add3A_37 : vector<256x1024xf32>
    %get3A_41 = arith.constant 0 : index
    %get3A_42 = arith.constant 2 : index
    %get3A_43 = arith.constant 0 : index
    %get3A_44 = vector.load %arg3[%get3A_41, %get3A_42, %get3A_43] : memref<1024x4x256xf32, #tpu.memory_space<vmem>>, vector<1024x1x256xf32>
    %get3A_45 = vector.shape_cast %get3A_44 : vector<1024x1x256xf32> to vector<1024x256xf32>
    %dot_general3A_46 = arith.constant dense<0.000000e+00> : vector<256x1024xf32>
    %dot_general3A_47 = tpu.matmul %get3A_1, %get3A_45, %dot_general3A_46 {dimension_numbers = #tpu.dot_dimension_numbers<[1], [1], [0], [0], [0, 0, 1, 0], [], []>, transpose_lhs_hint = false} : vector<256x256xf32>, vector<1024x256xf32>, vector<256x1024xf32> -> vector<256x1024xf32>
    %mul3A_48 = arith.mulf %get3A_45, %get3A_45 : vector<1024x256xf32>
    %dot_general3A_49 = arith.constant dense<0.000000e+00> : vector<1x1024xf32>
    %dot_general3A_50 = tpu.matmul %broadcast_in_dim3A_5, %mul3A_48, %dot_general3A_49 {dimension_numbers = #tpu.dot_dimension_numbers<[1], [1], [0], [0], [0, 0, 1, 0], [], []>, transpose_lhs_hint = false} : vector<1x256xf32>, vector<1024x256xf32>, vector<1x1024xf32> -> vector<1x1024xf32>
    %mul3A_51 = arith.constant 2.000000e+00 : f32
    %mul3A_52 = vector.broadcast %mul3A_51 : f32 to vector<256x1024xf32>
    %mul3A_53 = arith.mulf %mul3A_52, %dot_general3A_47 : vector<256x1024xf32>
    %sub3A_54 = vector.broadcast %get3A_4 : vector<256x1xf32> to vector<256x1024xf32>
    %sub3A_55 = arith.subf %sub3A_54, %mul3A_53 : vector<256x1024xf32>
    %add3A_56 = vector.broadcast %dot_general3A_50 : vector<1x1024xf32> to vector<256x1024xf32>
    %add3A_57 = arith.addf %sub3A_55, %add3A_56 : vector<256x1024xf32>
    %neg3A_58 = arith.constant 0.000000e+00 : f32
    %neg3A_59 = vector.broadcast %neg3A_58 : f32 to vector<256x1024xf32>
    %neg3A_60 = arith.subf %neg3A_59, %add3A_57 : vector<256x1024xf32>
    %get3A_61 = arith.constant 0 : index
    %get3A_62 = arith.constant 3 : index
    %get3A_63 = arith.constant 0 : index
    %get3A_64 = vector.load %arg3[%get3A_61, %get3A_62, %get3A_63] : memref<1024x4x256xf32, #tpu.memory_space<vmem>>, vector<1024x1x256xf32>
    %get3A_65 = vector.shape_cast %get3A_64 : vector<1024x1x256xf32> to vector<1024x256xf32>
    %dot_general3A_66 = arith.constant dense<0.000000e+00> : vector<256x1024xf32>
    %dot_general3A_67 = tpu.matmul %get3A_1, %get3A_65, %dot_general3A_66 {dimension_numbers = #tpu.dot_dimension_numbers<[1], [1], [0], [0], [0, 0, 1, 0], [], []>, transpose_lhs_hint = false} : vector<256x256xf32>, vector<1024x256xf32>, vector<256x1024xf32> -> vector<256x1024xf32>
    %mul3A_68 = arith.mulf %get3A_65, %get3A_65 : vector<1024x256xf32>
    %dot_general3A_69 = arith.constant dense<0.000000e+00> : vector<1x1024xf32>
    %dot_general3A_70 = tpu.matmul %broadcast_in_dim3A_5, %mul3A_68, %dot_general3A_69 {dimension_numbers = #tpu.dot_dimension_numbers<[1], [1], [0], [0], [0, 0, 1, 0], [], []>, transpose_lhs_hint = false} : vector<1x256xf32>, vector<1024x256xf32>, vector<1x1024xf32> -> vector<1x1024xf32>
    %mul3A_71 = arith.constant 2.000000e+00 : f32
    %mul3A_72 = vector.broadcast %mul3A_71 : f32 to vector<256x1024xf32>
    %mul3A_73 = arith.mulf %mul3A_72, %dot_general3A_67 : vector<256x1024xf32>
    %sub3A_74 = vector.broadcast %get3A_4 : vector<256x1xf32> to vector<256x1024xf32>
    %sub3A_75 = arith.subf %sub3A_74, %mul3A_73 : vector<256x1024xf32>
    %add3A_76 = vector.broadcast %dot_general3A_70 : vector<1x1024xf32> to vector<256x1024xf32>
    %add3A_77 = arith.addf %sub3A_75, %add3A_76 : vector<256x1024xf32>
    %neg3A_78 = arith.constant 0.000000e+00 : f32
    %neg3A_79 = vector.broadcast %neg3A_78 : f32 to vector<256x1024xf32>
    %neg3A_80 = arith.subf %neg3A_79, %add3A_77 : vector<256x1024xf32>
    %max3A = arith.maximumf %neg3A_20, %neg3A_40 : vector<256x1024xf32>
    %max3A_81 = arith.maximumf %neg3A_60, %neg3A_80 : vector<256x1024xf32>
    %max3A_82 = arith.maximumf %max3A, %max3A_81 : vector<256x1024xf32>
    %logistic3A = arith.negf %max3A_82 : vector<256x1024xf32>
    %logistic3A_83 = math.exp %logistic3A : vector<256x1024xf32>
    %logistic3A_84 = arith.constant 1.000000e+00 : f32
    %logistic3A_85 = vector.broadcast %logistic3A_84 : f32 to vector<256x1024xf32>
    %logistic3A_86 = arith.addf %logistic3A_85, %logistic3A_83 : vector<256x1024xf32>
    %logistic3A_87 = arith.divf %logistic3A_85, %logistic3A_86 : vector<256x1024xf32>
    %swap3A = arith.constant 0 : index
    %swap3A_88 = arith.constant 0 : index
    %swap3A_89 = vector.load %arg4[%swap3A, %swap3A_88] : memref<256x1024xf32, #tpu.memory_space<vmem>>, vector<256x1024xf32>
    tpu.vector_store %arg4[%swap3A, %swap3A_88], %logistic3A_87 {strides = array<i32>} : memref<256x1024xf32, #tpu.memory_space<vmem>>, vector<256x1024xf32>,
    %swap3A_90 = arith.constant 0 : index
    %swap3A_91 = arith.constant 0 : index
    %swap3A_92 = vector.load %arg5[%swap3A_90, %swap3A_91] : memref<256x1024xf32, #tpu.memory_space<vmem>>, vector<256x1024xf32>
    tpu.vector_store %arg5[%swap3A_90, %swap3A_91], %max3A_82 {strides = array<i32>} : memref<256x1024xf32, #tpu.memory_space<vmem>>, vector<256x1024xf32>,
    %reduce_max3A = arith.constant dense<0xFF800000> : vector<256xf32>
    %reduce_max3A_93 = vector.multi_reduction <maximumf>, %max3A_82, %reduce_max3A [1] : vector<256x1024xf32> to vector<256xf32>
    %broadcast_in_dim3A_94 = vector.shape_cast %reduce_max3A_93 : vector<256xf32> to vector<256x1xf32>
    %iota3A = tpu.iota {dimensions = array<i32: 1>} : vector<256x1024xi32>
    %mul3A_95 = arith.constant 1024 : i32
    %mul3A_96 = arith.muli %arg0, %mul3A_95 : i32
    %add3A_97 = vector.broadcast %mul3A_96 : i32 to vector<256x1024xi32>
    %add3A_98 = arith.addi %iota3A, %add3A_97 : vector<256x1024xi32>
    %eq3A = vector.broadcast %broadcast_in_dim3A_94 : vector<256x1xf32> to vector<256x1024xf32>
    %eq3A_99 = arith.cmpf oeq, %max3A_82, %eq3A : vector<256x1024xf32>
    %jit3A = arith.constant 1073741824 : i32
    %broadcast_in_dim3A_100 = vector.broadcast %jit3A : i32 to vector<256x1024xi32>
    %select_n3A = arith.select %eq3A_99, %add3A_98, %broadcast_in_dim3A_100 : vector<256x1024xi1>, vector<256x1024xi32>
    %reduce_min3A = arith.constant dense<2147483647> : vector<256xi32>
    %reduce_min3A_101 = vector.multi_reduction <minsi>, %select_n3A, %reduce_min3A [1] : vector<256x1024xi32> to vector<256xi32>
    %broadcast_in_dim3A_102 = vector.shape_cast %reduce_min3A_101 : vector<256xi32> to vector<256x1xi32>
    %eq3A_103 = arith.constant 0 : i32
    %eq3A_104 = arith.cmpi eq, %arg0, %eq3A_103 : i32
    %convert_element_type3A = arith.extui %eq3A_104 : i1 to i32
    %cond3A = arith.constant 0 : i32
    %cond3A_105 = arith.cmpi ne, %convert_element_type3A, %cond3A : i32
    scf.if %cond3A_105 {
      %swap3A_116 = arith.constant 0 : index
      %swap3A_117 = arith.constant 0 : index
      %swap3A_118 = vector.load %arg7[%swap3A_116, %swap3A_117] : memref<256x1xf32, #tpu.memory_space<vmem>>, vector<256x1xf32>
      tpu.vector_store %arg7[%swap3A_116, %swap3A_117], %broadcast_in_dim3A_94 {strides = array<i32>} : memref<256x1xf32, #tpu.memory_space<vmem>>, vector<256x1xf32>,
      %swap3A_119 = arith.constant 0 : index
      %swap3A_120 = arith.constant 0 : index
      %swap3A_121 = vector.load %arg8[%swap3A_119, %swap3A_120] : memref<256x1xi32, #tpu.memory_space<vmem>>, vector<256x1xi32>
      tpu.vector_store %arg8[%swap3A_119, %swap3A_120], %broadcast_in_dim3A_102 {strides = array<i32>} : memref<256x1xi32, #tpu.memory_space<vmem>>, vector<256x1xi32>,
    } else {
    }
    %gt3A = arith.constant 0 : i32
    %gt3A_106 = arith.cmpi sgt, %arg0, %gt3A : i32
    %convert_element_type3A_107 = arith.extui %gt3A_106 : i1 to i32
    %cond3A_108 = arith.constant 0 : i32
    %cond3A_109 = arith.cmpi ne, %convert_element_type3A_107, %cond3A_108 : i32
    scf.if %cond3A_109 {
      %get3A_116 = arith.constant 0 : index
      %get3A_117 = arith.constant 0 : index
      %get3A_118 = vector.load %arg7[%get3A_116, %get3A_117] : memref<256x1xf32, #tpu.memory_space<vmem>>, vector<256x1xf32>
      %gt3A_119 = arith.cmpf ogt, %broadcast_in_dim3A_94, %get3A_118 : vector<256x1xf32>
      %get3A_120 = arith.constant 0 : index
      %get3A_121 = arith.constant 0 : index
      %get3A_122 = vector.load %arg8[%get3A_120, %get3A_121] : memref<256x1xi32, #tpu.memory_space<vmem>>, vector<256x1xi32>
      %select_n3A_123 = arith.select %gt3A_119, %broadcast_in_dim3A_102, %get3A_122 : vector<256x1xi1>, vector<256x1xi32>
      %swap3A_124 = arith.constant 0 : index
      %swap3A_125 = arith.constant 0 : index
      %swap3A_126 = vector.load %arg8[%swap3A_124, %swap3A_125] : memref<256x1xi32, #tpu.memory_space<vmem>>, vector<256x1xi32>
      tpu.vector_store %arg8[%swap3A_124, %swap3A_125], %select_n3A_123 {strides = array<i32>} : memref<256x1xi32, #tpu.memory_space<vmem>>, vector<256x1xi32>,
      %get3A_127 = arith.constant 0 : index
      %get3A_128 = arith.constant 0 : index
      %get3A_129 = vector.load %arg7[%get3A_127, %get3A_128] : memref<256x1xf32, #tpu.memory_space<vmem>>, vector<256x1xf32>
      %select_n3A_130 = arith.select %gt3A_119, %broadcast_in_dim3A_94, %get3A_129 : vector<256x1xi1>, vector<256x1xf32>
      %swap3A_131 = arith.constant 0 : index
      %swap3A_132 = arith.constant 0 : index
      %swap3A_133 = vector.load %arg7[%swap3A_131, %swap3A_132] : memref<256x1xf32, #tpu.memory_space<vmem>>, vector<256x1xf32>
      tpu.vector_store %arg7[%swap3A_131, %swap3A_132], %select_n3A_130 {strides = array<i32>} : memref<256x1xf32, #tpu.memory_space<vmem>>, vector<256x1xf32>,
    } else {
    }
    %get3A_110 = arith.constant 0 : index
    %get3A_111 = arith.constant 0 : index
    %get3A_112 = vector.load %arg8[%get3A_110, %get3A_111] : memref<256x1xi32, #tpu.memory_space<vmem>>, vector<256x1xi32>
    %swap3A_113 = arith.constant 0 : index
    %swap3A_114 = arith.constant 0 : index
    %swap3A_115 = vector.load %arg6[%swap3A_113, %swap3A_114] : memref<256x1xi32, #tpu.memory_space<vmem>>, vector<256x1xi32>
    tpu.vector_store %arg6[%swap3A_113, %swap3A_114], %get3A_112 {strides = array<i32>} : memref<256x1xi32, #tpu.memory_space<vmem>>, vector<256x1xi32>,
    return
  }
  func.func @transform_0(%arg0: i32) -> (i32, i32) {
    %c0_i32 = arith.constant 0 : i32
    %c0_i32_0 = arith.constant 0 : i32
    %c0_i32_1 = arith.constant 0 : i32
    return %c0_i32, %c0_i32_0 : i32, i32
  }
  func.func @transform_1(%arg0: i32) -> (i32, i32) {
    %c0_i32 = arith.constant 0 : i32
    %c0_i32_0 = arith.constant 0 : i32
    %c0_i32_1 = arith.constant 0 : i32
    return %c0_i32, %c0_i32_0 : i32, i32
  }
  func.func @transform_2(%arg0: i32) -> (i32, i32, i32) {
    %c0_i32 = arith.constant 0 : i32
    %c0_i32_0 = arith.constant 0 : i32
    %c0_i32_1 = arith.constant 0 : i32
    return %arg0, %c0_i32, %c0_i32_0 : i32, i32, i32
  }
  func.func @transform_3(%arg0: i32) -> (i32, i32) {
    %c0_i32 = arith.constant 0 : i32
    %c0_i32_0 = arith.constant 0 : i32
    return %c0_i32, %arg0 : i32, i32
  }
  func.func @transform_4(%arg0: i32) -> (i32, i32) {
    %c0_i32 = arith.constant 0 : i32
    %c0_i32_0 = arith.constant 0 : i32
    return %c0_i32, %arg0 : i32, i32
  }
  func.func @transform_5(%arg0: i32) -> (i32, i32) {
    %c0_i32 = arith.constant 0 : i32
    %c0_i32_0 = arith.constant 0 : i32
    %c0_i32_1 = arith.constant 0 : i32
    return %c0_i32, %c0_i32_0 : i32, i32
  }
}

</mosaic_0001>

<sc_bundles>
// kernel: kernel.5.cloned.1.call-start
scs
__scs_entry_jumppad:
0x0: {  	(pc) =	sbr.rel $0x88, $3  }
0x1: {  	(tag) =	ssettag $0x0;
	lr =	simm.s32 $0x1  }
0x2: {  	[smem:$0x3F9F] =	sst lr;
	_ =	strace $0xD0000000  }
0x3: {  	_ = 	snop  }
0x4: {  	_ = 	snop  }
0x5: {  	_ = 	snop  }
0x6: {  	_ = 	snop  }
0x7: {  	_ = 	snop  }
__scs_overlays_trampoline_lowered:
0x8: {  	[smem:$0x3FAE] =	sst s0  }
0x9: {  	[smem:$0x3FAF] =	sst s1  }
0xa: {  	[smem:$0x3FB0] =	sst s2  }
0xb: {  	[smem:$0x3FB1] =	sst s3  }
0xc: {  	[smem:$0x3FB2] =	sst s4  }
0xd: {  	[smem:$0x3FB3] =	sst s5  }
0xe: {  	[smem:$0x3FB4] =	sst s6  }
0xf: {  	[smem:$0x3FB5] =	sst s7  }
0x10: {  	[smem:$0x3FB6] =	sst s8  }
0x11: {  	[smem:$0x3FB7] =	sst s9;
	s0 =	simm.s32 @!p0 $0x0  }
0x12: {  	s1 =	sld [smem:$0x3F9D];
	s0 =	simm.s32 @p0 $0x1  }
0x13: {  	[smem:$0x3FB8] =	sst s0;
	s0 =	simm.s32 @!p1 $0x0  }
0x14: {  	s2 =	sld [smem:$0x3F9C];
	s0 =	simm.s32 @p1 $0x1  }
0x15: {  	[smem:$0x3FB9] =	sst s0;
	s0 =	simm.s32 @!p2 $0x0  }
0x16: {  	s3 =	sld [smem:$0x3FDB];
	s0 =	simm.s32 @p2 $0x1  }
0x17: {  	s4 =	simm.s32 $0x1BF5;
	[smem:$0x3FBB] =	sst s0  }
0x18: {  	s0 =	sld [smem:$0x3F9E];
	_ =	swait.ge [sflag:s4], $0x0  }
0x19: {  	s7 =	sld [smem:$0x3F9F]  }
0x1a: {  	s8 =	sadd.s32 $0xFFFFE003, lr  }
0x1b: {  	s9 =	sadd.s32 $0xFFFFFEF7, lr;
	s5 =	simm.s32 $0xFFFFFFFF;
	p2 =	slt.u32 s8, $0xFFFFF086  }
0x1c: {  	p1 =	slt.u32 s9, $0xF7A;
	s5 =	simm.s32 @!p2 $0x0  }
0x1d: {  	s5 =	simm.s32 @p1 $0x1;
	p0 =	seq.s32 s7, s2  }
0x1e: {  	s7 =	smul.u32 @!p0 $0xF7A, s2;
	p2 =	seq.s32 @!p0 s5, $0x0  }
0x1f: {  	s9 =	smul.u32 $0xF7A, s1;
	s8 =	simm.s32 @!p0 $0x1BF5;
	p2 =	por !p2, p0  }
0x20: {  	[sflag:s8] =	ssyncset.s32 @!p0 $0xFFFFF086;
	s6 =	sadd.s32 @!p0 s3, s7;
	s7 =	simm.s32 @!p0 $0x108  }
0x21: {  	s3 =	sadd.s32 s3, s9;
	s6 =	sadd.s32 @!p0 $0x88, s6;
	s7 =	simm.s32 @p2 $0x1082  }
0x22: {  	[simem:s7], [sflag:s8] =	dma.local @!p0 [hbm:s6], $0xF7A  }
0x23: {  	s9 =	sor.u32 $0xD0000000, s2;
	s6 =	simm.s32 $0x108;
	_ =	swait.ge @!p0 [sflag:s8], $0x0  }
0x24: {  	s3 =	sadd.s32 $0x88, s3;
	s6 =	simm.s32 @!p1 $0x1082;
	[sflag:s4] =	ssyncset.s32 $0xFFFFF086  }
0x25: {  	[simem:s6], [sflag:s4] =	dma.local [hbm:s3], $0xF7A  }
0x26: {  	[smem:$0x3F9F] =	sst s1;
	(tag) =	ssettag s2;
	_ =	strace s9  }
0x27: {  	s1 =	sld [smem:$0x3FAF]  }
0x28: {  	s2 =	sld [smem:$0x3FB0]  }
0x29: {  	s4 =	sld [smem:$0x3FB2]  }
0x2a: {  	p0 =	seq.s32 s5, $0x0;
	s5 =	sld [smem:$0x3FB3]  }
0x2b: {  	s6 =	sld [smem:$0x3FB4]  }
0x2c: {  	s7 =	sld [smem:$0x3FB5]  }
0x2d: {  	s3 =	simm.s32 $0x108;
	s8 =	sld [smem:$0x3FB6]  }
0x2e: {  	s3 =	simm.s32 @!p0 $0x1082;
	s9 =	sld [smem:$0x3FB7]  }
0x2f: {  	lr =	sadd.s32 s0, s3;
	s0 =	sld [smem:$0x3FAE]  }
0x30: {  	s3 =	sld [smem:$0x3FB1]  }
0x31: {  	[smem:$0x3FBA] =	sst s10  }
0x32: {  	s10 =	sld [smem:$0x3FB8];
	_ =	sdelay $0x3  }
0x33: {  	p0 =	seq.s32 s10, $0x1;
	s10 =	sld [smem:$0x3FBA];
	_ =	sdelay $0x3  }
0x34: {  	[smem:$0x3FBA] =	sst s10  }
0x35: {  	s10 =	sld [smem:$0x3FB9];
	_ =	sdelay $0x3  }
0x36: {  	p1 =	seq.s32 s10, $0x1;
	s10 =	sld [smem:$0x3FBA];
	_ =	sdelay $0x3  }
0x37: {  	[smem:$0x3FBA] =	sst s10  }
0x38: {  	s10 =	sld [smem:$0x3FBB]  }
0x39: {  	_ = 	snop;
	(pc) =	sbr.ind lr, $3  }
0x3a: {  	_ = 	snop  }
0x3b: {  	_ = 	snop  }
0x3c: {  	p2 =	seq.s32 s10, $0x1;
	s10 =	sld [smem:$0x3FBA]  }
0x3d: {  	_ =	shalt  }
0x3e: {  	_ =	shalt  }
0x3f: {  	_ =	shalt  }
0x40: {  	_ =	shalt  }
0x41: {  	_ =	shalt  }
0x42: {  	_ =	shalt  }
0x43: {  	_ =	shalt  }
0x44: {  	_ =	shalt  }
0x45: {  	_ =	shalt  }
0x46: {  	_ =	shalt  }
0x47: {  	_ =	shalt  }
0x48: {  	_ =	shalt  }
0x49: {  	_ =	shalt  }
0x4a: {  	_ =	shalt  }
0x4b: {  	_ =	shalt  }
0x4c: {  	_ =	shalt  }
0x4d: {  	_ =	shalt  }
0x4e: {  	_ =	shalt  }
0x4f: {  	_ =	shalt  }
0x50: {  	_ =	shalt  }
0x51: {  	_ =	shalt  }
0x52: {  	_ =	shalt  }
0x53: {  	_ =	shalt  }
0x54: {  	_ =	shalt  }
0x55: {  	_ =	shalt  }
0x56: {  	_ =	shalt  }
0x57: {  	_ =	shalt  }
0x58: {  	_ =	shalt  }
0x59: {  	_ =	shalt  }
0x5a: {  	_ =	shalt  }
0x5b: {  	_ =	shalt  }
0x5c: {  	_ =	shalt  }
0x5d: {  	_ =	shalt  }
0x5e: {  	_ =	shalt  }
0x5f: {  	_ =	shalt  }
0x60: {  	_ =	shalt  }
0x61: {  	_ =	shalt  }
0x62: {  	_ =	shalt  }
0x63: {  	_ =	shalt  }
0x64: {  	_ =	shalt  }
0x65: {  	_ =	shalt  }
0x66: {  	_ =	shalt  }
0x67: {  	_ =	shalt  }
0x68: {  	_ =	shalt  }
0x69: {  	_ =	shalt  }
0x6a: {  	_ =	shalt  }
0x6b: {  	_ =	shalt  }
0x6c: {  	_ =	shalt  }
0x6d: {  	_ =	shalt  }
0x6e: {  	_ =	shalt  }
0x6f: {  	_ =	shalt  }
0x70: {  	_ =	shalt  }
0x71: {  	_ =	shalt  }
0x72: {  	_ =	shalt  }
0x73: {  	_ =	shalt  }
0x74: {  	_ =	shalt  }
0x75: {  	_ =	shalt  }
0x76: {  	_ =	shalt  }
0x77: {  	_ =	shalt  }
0x78: {  	_ =	shalt  }
0x79: {  	_ =	shalt  }
0x7a: {  	_ =	shalt  }
0x7b: {  	_ =	shalt  }
0x7c: {  	_ =	shalt  }
0x7d: {  	_ =	shalt  }
0x7e: {  	_ =	shalt  }
0x7f: {  	_ =	shalt  }
0x80: {  	_ =	shalt  }
0x81: {  	_ =	shalt  }
0x82: {  	_ =	shalt  }
0x83: {  	_ =	shalt  }
0x84: {  	_ =	shalt  }
0x85: {  	_ =	shalt  }
0x86: {  	_ =	shalt  }
0x87: {  	_ =	shalt  }
.Lfunc_end0:
.L_simem_size_0:
called_computation_lowered:
.L_overlay_start_0:
0x88: {  	s2 =	sld [smem:$0x3FD9]  }
0x89: {  	s3 =	sld [smem:$0x3FFE];
	_ =	sdelay $0x1  }
0x8a: {  	s1 =	srdreg.scid  }
0x8b: {  	s0 =	sand.u32 $0x1, s1  }
0x8c: {  	s15 =	sshll.u32 s0, $0xA;
	s2 =	sadd.s32 s3, s2  }
0x8d: {  	s2 =	sadd.s32 s2, s15  }
0x8e: {  	[smem:$0x3FC6] =	sst s2  }
0x8f: {  	_ = 	snop  }
0x90: {  	s2 =	sld [smem:$0x3FD0];
	_ =	sdelay $0x2  }
0x91: {  	s4 =	simm.s32 $0xA;
	s5 =	simm.s32 $0x10;
	s16 =	sld [smem:$0x3FC8]  }
0x92: {  	[smem:s5], [sflag:s4] =	dma.local [hbm:s2], $0x1  }
0x93: {  	_ =	swait.eq [sflag:s4], $0x1  }
0x94: {  	[sflag:s4] =	ssyncset.done $0x0  }
0x95: {  	s17 =	sld [smem:$0x12];
	[sflag:s4] =	ssyncadd.s32 $0xFFFFFFFF  }
0x96: {  	s18 =	sld [smem:$0x13];
	(tm) =	ssettm $0x1  }
0x97: {  	s19 =	sld [smem:$0x3FFB];
	_ =	sdelay $0x3  }
0x98: {  	_ =	strace s19  }
0x99: {  	s5 =	sld [smem:$0x3FFC];
	_ =	sdelay $0x3  }
0x9a: {  	_ =	strace s5  }
0x9b: {  	s5 =	sld [smem:$0x3FFD];
	_ =	sdelay $0x3  }
0x9c: {  	_ =	strace s5  }
0x9d: {  	_ =	strace $0x8FFFFFFF  }
0x9e: {  	s20 =	sld [smem:$0x3FDB];
	_ =	sdelay $0x1  }
0x9f: {  	s6 =	simm.s32 $_scs_section_size  }
0xa0: {  	s7 =	simm.s32 $_size__tile_overlayer_lowered;
	s8 =	simm.s32 $_tile_overlayer_lowered  }
0xa1: {  	s23 =	simm.s32 $0x1BFF;
	s22 =	sshll.u32 s8, $0x1;
	s5 =	sadd.s32 s6, s20  }
0xa2: {  	s9 =	simm.s32 $0x0;
	s21 =	sshll.u32 s7, $0x1;
	s7 =	sadd.s32 s22, s5  }
0xa3: {  	[timem:s9], [sflag:s23] =	dma.local [hbm:s7], s21  }
0xa4: {  	_ =	swait.ge [sflag:s23], s21  }
0xa5: {  	s6 =	ssub.s32 $0x0, s21;
	[sflag:s23] =	ssyncset.done $0x0  }
0xa6: {  	[sflag:s23] =	ssyncadd.s32 s6;
	_ =	sdelay $0x1  }
0xa7: {  	s24 =	simm.s32 $0x1B8B  }
0xa8: {  	_ =	swait.ge [sflag:s24], $0x1  }
0xa9: {  	[sflag:s24] =	ssyncset.done $0x0  }
0xaa: {  	s25 =	simm.s32 $0x1B8E;
	[sflag:s24] =	ssyncadd.s32 $0xFFFFFFFF  }
0xab: {  	s26 =	simm.s32 $execute0_lowered;
	[smem:$0x3FD2] =	sst s25  }
0xac: {  	s6 =	sshll.u32 s26, $0x1;
	_ =	strace $0x80000046;
	[dreg:$0x1] =	wrdreg $0xFFFFFFFF  }
0xad: {  	s28 =	simm.s32 $_size_execute0_lowered;
	s5 =	sadd.s32 s5, s6;
	[dreg:$0x0] =	wrdreg $0x0  }
0xae: {  	s6 =	sshll.u32 s28, $0x1;
	[dreg:$0x2] =	wrdreg s5  }
0xaf: {  	[dreg:$0x3] =	wrdreg s6  }
0xb0: {  	[dreg:$0x4] =	wrdreg $0xC0  }
0xb1: {  	_ =	task [dreg:s9], $0x5FFFF  }
0xb2: {  	[dreg:$0x1] =	wrdreg $0xFFFFFFFF  }
0xb3: {  	[dreg:$0x0] =	wrdreg $0x60  }
0xb4: {  	[dreg:$0x2] =	wrdreg s17  }
0xb5: {  	[dreg:$0x3] =	wrdreg s16  }
0xb6: {  	[dreg:$0x4] =	wrdreg s18  }
0xb7: {  	[dreg:$0x5] =	wrdreg $0x9  }
0xb8: {  	_ =	task.clear_ibuf [dreg:s9], $0x6FFFF;
	_ =	strace $0x90000046  }
0xb9: {  	s29 =	simm.s32 $0x9;
	_ =	strace $0x80000048  }
0xba: {  	_ =	swait.ge [sflag:s29], $0x1  }
0xbb: {  	[sflag:s29] =	ssyncadd.s32 $0xFFFFFFFF  }
0xbc: {  	_ =	strace $0x90000048  }
0xbd: {  	_ =	sfence  }
0xbe: {  	s30 =	sld [smem:$0x0];
	_ =	sdelay $0x2  }
0xbf: {  	s31 =	sshll.u32 s1, $0xD;
	s1 =	sshrl.u32 s1, $0x2  }
0xc0: {  	s3 =	sand.u32 $0x4000, s31;
	s1 =	sadd.s32 s1, s30  }
0xc1: {  	s0 =	sor.u32 s3, s0;
	s1 =	sshll.u32 s1, $0x11  }
0xc2: {  	s0 =	sor.u32 s1, s0  }
0xc3: {  	s0 =	sadd.s32 $0x8F2B, s0  }
0xc4: {  	[sflag:s0] =	ssyncadd.remote.s32 $0x1  }
0xc5: {  	_ =	sfence.sel $0xFFFF  }
0xc6: {  	[dreg:$0x0] =	wrdreg $0xFFFFFFFF;
	(pc) =	sbr.abs _section_cstart, $3  }
0xc7: {  	[dreg:$0x1] =	wrdreg $0xFFFFFFFF  }
0xc8: {  	_ =	task.clear_ibuf [dreg:s9], $0x2FFFF;
	_ =	strace $0x9FFFFFFF  }
0xc9: {  	(tm) =	ssettm $0x7FFFFFFF  }
tec
execute0_lowered:
.L_overlay_start_1:
0x0: {  	(tag) =	ssettag $0x1  }
0x1: {  	s1 =	srdreg.scid;
	s5 =	rddreg [dreg:$0x0]  }
0x2: {  	s0 =	stileid.u32;
	s2 =	rddreg [dreg:$0x1]  }
0x3: {  	s4 =	simm.s32 $0x1;
	s9 =	rddreg [dreg:$0x2];
	s3 =	simm.s32 $0x0  }
0x4: {  	s13 =	simm.s32 $0x0;
	s6 =	sand.u32 $0x1, s1;
	[smem:$0x7FF] =	sst s3  }
0x5: {  	s1 =	sor.u32 s6, s0;
	p1 =	seq.s32 s6, $0x1;
	s28 =	ssub.s32 $0x2, s6  }
0x6: {  	s29 =	sshll.u32 s6, $0x11;
	s11 =	sshllo.u32 s6, $0x1;
	p0 =	seq.s32 s1, $0x0  }
0x7: {  	s6 =	sshll.u32 s6, $0x8;
	s1 =	rddreg [dreg:$0x3];
	p0 =	por !p0, !p1  }
0x8: {  	_ =	strace $0x80000047;
	s10 =	sshrl.u32 s28, $0x1;
	p0 =	por !p0, !p0  }
0x9: {  	s12 =	sshll.u32 s11, $0x10;
	s6 =	sor.u32 $0x80, s6;
	s4 =	simm.s32 @!p0 $0x0  }
0xa: {  	s30 =	sshll.u32 s11, $0x7;
	s10 =	ssub.s32 s28, s10;
	s7 =	ssub.s32 s0, s4  }
0xb: {  	s11 =	simm.s32 $0x2;
	s10 =	smax.u32 s10, $0x1;
	s8 =	sshll.u32 s7, $0x1  }
0xc: {  	s4 =	simm.s32 $0x1;
	s7 =	sshll.u32 s7, $0xC;
	s8 =	sand.u32 $0x1FFFFFFE, s8  }
0xd: {  	s12 =	sadd.s32 s12, s7;
	s5 =	sadd.s32 s5, s8;
	s8 =	sadd.s32 s29, s7  }
0xe: {  	s31 =	sshrl.u32 s12, $0x3;
	s12 =	simm.s32 $0x80;
	s8 =	sshrl.u32 s8, $0x3  }
0xf: {  	v0 =	vlaneseq.u32;
	vm0 =	vmmov $0xffff;
	s7 =	sadd.s32 s9, s8;
	s8 =	sadd.s32 $0x80, s30;
	s9 =	sadd.s32 s9, s31  }
.LBB2_1:
0x10: {  	[tilespmem:s3], [sflag:$0x2] =	stream.linear.gather [hbm4b:s5+s3], $0x10, $0x38;
	[tilespmem:$0x4080] =	vst v63  }
0x11: {  	_ =	swait.ge [sflag:s11], $0x10  }
0x12: {  	[sflag:s11] =	ssyncset.done $0x0  }
0x13: {  	[sflag:s11] =	ssyncadd.s32 $0xFFFFFFF0  }
0x14: {  	v1 =	vld [tilespmem:$0x0];
	_ =	sdelay $0x4  }
0x15: {  	v1 =	vshll.u32 v1, $0xA  }
0x16: {  	v1 =	vperm.xlane v1, v0;
	_ =	sdelay $0x5  }
0x17: {  	[tilespmem:s12], [sflag:$0x1] =	stream.indirect_vreg.gather [hbm4b:s2+s3], $0x400, v1, vm0, $0x38;
	[tilespmem:$0x4080] =	vst v63  }
0x18: {  	_ =	swait.ge [sflag:s4], $0x4000  }
0x19: {  	[sflag:s4] =	ssyncset.done $0x0  }
0x1a: {  	p0 =	por $0x1, $0x1;
	s14 =	simm.s32 $0x0;
	[sflag:s4] =	ssyncadd.s32 $0xFFFFC000  }
.LBB2_2:
0x1b: {  	s15 =	sshll.u32 s14, $0xD  }
0x1c: {  	s18 =	sshll.u32 s14, $0x8;
	s15 =	sand.u32 $0x3FFFE000, s15  }
0x1d: {  	s14 =	sadd.s32 s18, s7;
	s15 =	sor.u32 s15, s6  }
0x1e: {  	[hbm4b:s14+s3] =	stream.linear.scatter [tilespmem:s15], [sflag:$0x2], $0x80, $0x38;
	[tilespmem:$0x4080] =	vst v63  }
0x1f: {  	s17 =	sadd.s32 $0x10, s14;
	s16 =	sor.u32 $0x400, s15  }
0x20: {  	[hbm4b:s17+s3] =	stream.linear.scatter [tilespmem:s16], [sflag:$0x2], $0x80, $0x38;
	[tilespmem:$0x4080] =	vst v63  }
0x21: {  	s20 =	sadd.s32 $0x20, s14;
	s19 =	sor.u32 $0x800, s15  }
0x22: {  	[hbm4b:s20+s3] =	stream.linear.scatter [tilespmem:s19], [sflag:$0x2], $0x80, $0x38;
	[tilespmem:$0x4080] =	vst v63  }
0x23: {  	s22 =	sadd.s32 $0x30, s14;
	s21 =	sor.u32 $0xC00, s15  }
0x24: {  	[hbm4b:s22+s3] =	stream.linear.scatter [tilespmem:s21], [sflag:$0x2], $0x80, $0x38;
	[tilespmem:$0x4080] =	vst v63  }
0x25: {  	s24 =	sadd.s32 $0x40, s14;
	s23 =	sor.u32 $0x1000, s15  }
0x26: {  	[hbm4b:s24+s3] =	stream.linear.scatter [tilespmem:s23], [sflag:$0x2], $0x80, $0x38;
	[tilespmem:$0x4080] =	vst v63  }
0x27: {  	s26 =	sadd.s32 $0x50, s14;
	s25 =	sor.u32 $0x1400, s15  }
0x28: {  	[hbm4b:s26+s3] =	stream.linear.scatter [tilespmem:s25], [sflag:$0x2], $0x80, $0x38;
	[tilespmem:$0x4080] =	vst v63  }
0x29: {  	s29 =	sadd.s32 $0x60, s14;
	s28 =	sor.u32 $0x1800, s15  }
0x2a: {  	[hbm4b:s29+s3] =	stream.linear.scatter [tilespmem:s28], [sflag:$0x2], $0x80, $0x38;
	[tilespmem:$0x4080] =	vst v63  }
0x2b: {  	s31 =	sadd.s32 $0x70, s14;
	s30 =	sor.u32 $0x1C00, s15  }
0x2c: {  	[hbm4b:s31+s3] =	stream.linear.scatter [tilespmem:s30], [sflag:$0x2], $0x80, $0x38;
	[tilespmem:$0x4080] =	vst v63  }
0x2d: {  	s18 =	sadd.s32 $0x80, s14;
	s17 =	sor.u32 $0x200, s15  }
0x2e: {  	[hbm4b:s18+s3] =	stream.linear.scatter [tilespmem:s17], [sflag:$0x2], $0x80, $0x38;
	[tilespmem:$0x4080] =	vst v63  }
0x2f: {  	s19 =	sor.u32 $0x600, s15;
	s20 =	sadd.s32 $0x90, s14  }
0x30: {  	[hbm4b:s20+s3] =	stream.linear.scatter [tilespmem:s19], [sflag:$0x2], $0x80, $0x38;
	[tilespmem:$0x4080] =	vst v63  }
0x31: {  	s21 =	sor.u32 $0xA00, s15;
	s22 =	sadd.s32 $0xA0, s14  }
0x32: {  	[hbm4b:s22+s3] =	stream.linear.scatter [tilespmem:s21], [sflag:$0x2], $0x80, $0x38;
	[tilespmem:$0x4080] =	vst v63  }
0x33: {  	s23 =	sor.u32 $0xE00, s15;
	s24 =	sadd.s32 $0xB0, s14  }
0x34: {  	[hbm4b:s24+s3] =	stream.linear.scatter [tilespmem:s23], [sflag:$0x2], $0x80, $0x38;
	[tilespmem:$0x4080] =	vst v63  }
0x35: {  	s25 =	sor.u32 $0x1200, s15;
	s26 =	sadd.s32 $0xC0, s14  }
0x36: {  	[hbm4b:s26+s3] =	stream.linear.scatter [tilespmem:s25], [sflag:$0x2], $0x80, $0x38;
	[tilespmem:$0x4080] =	vst v63  }
0x37: {  	p1 =	por p0, p0;
	s28 =	sor.u32 $0x1600, s15;
	s29 =	sadd.s32 $0xD0, s14  }
0x38: {  	[hbm4b:s29+s3] =	stream.linear.scatter [tilespmem:s28], [sflag:$0x2], $0x80, $0x38;
	[tilespmem:$0x4080] =	vst v63  }
.Ltmp0:
0x39: {  	s30 =	sor.u32 $0x1A00, s15;
	s31 =	sadd.s32 $0xE0, s14;
	(pc) =	sbr.rel @p1 .LBB2_2-.Ltmp0, $4  }
0x3a: {  	[hbm4b:s31+s3] =	stream.linear.scatter [tilespmem:s30], [sflag:$0x2], $0x80, $0x38;
	[tilespmem:$0x4080] =	vst v63  }
0x3b: {  	s15 =	sor.u32 $0x1E00, s15;
	s14 =	sadd.s32 $0xF0, s14  }
0x3c: {  	[hbm4b:s14+s3] =	stream.linear.scatter [tilespmem:s15], [sflag:$0x2], $0x80, $0x38;
	[tilespmem:$0x4080] =	vst v63  }
0x3d: {  	p0 =	por $0x0, $0x0;
	s14 =	simm.s32 $0x1  }
0x3e: {  	_ =	swait.ge [sflag:s11], $0x1000  }
0x3f: {  	[sflag:s11] =	ssyncset.done $0x0  }
0x40: {  	s14 =	simm.s32 $0x0;
	p0 =	por $0x1, $0x1;
	[sflag:s11] =	ssyncadd.s32 $0xFFFFF000  }
.LBB2_4:
0x41: {  	s15 =	sshll.u32 s14, $0xD  }
0x42: {  	s18 =	sshll.u32 s14, $0x8;
	s15 =	sand.u32 $0x3FFFE000, s15  }
0x43: {  	s14 =	sadd.s32 s18, s9;
	s15 =	sor.u32 s15, s8  }
0x44: {  	[hbm4b:s14+s3] =	stream.linear.scatter [tilespmem:s15], [sflag:$0x2], $0x80, $0x38;
	[tilespmem:$0x4080] =	vst v63  }
0x45: {  	s17 =	sadd.s32 $0x10, s14;
	s16 =	sor.u32 $0x400, s15  }
0x46: {  	[hbm4b:s17+s3] =	stream.linear.scatter [tilespmem:s16], [sflag:$0x2], $0x80, $0x38;
	[tilespmem:$0x4080] =	vst v63  }
0x47: {  	s20 =	sadd.s32 $0x20, s14;
	s19 =	sor.u32 $0x800, s15  }
0x48: {  	[hbm4b:s20+s3] =	stream.linear.scatter [tilespmem:s19], [sflag:$0x2], $0x80, $0x38;
	[tilespmem:$0x4080] =	vst v63  }
0x49: {  	s22 =	sadd.s32 $0x30, s14;
	s21 =	sor.u32 $0xC00, s15  }
0x4a: {  	[hbm4b:s22+s3] =	stream.linear.scatter [tilespmem:s21], [sflag:$0x2], $0x80, $0x38;
	[tilespmem:$0x4080] =	vst v63  }
0x4b: {  	s24 =	sadd.s32 $0x40, s14;
	s23 =	sor.u32 $0x1000, s15  }
0x4c: {  	[hbm4b:s24+s3] =	stream.linear.scatter [tilespmem:s23], [sflag:$0x2], $0x80, $0x38;
	[tilespmem:$0x4080] =	vst v63  }
0x4d: {  	s26 =	sadd.s32 $0x50, s14;
	s25 =	sor.u32 $0x1400, s15  }
0x4e: {  	[hbm4b:s26+s3] =	stream.linear.scatter [tilespmem:s25], [sflag:$0x2], $0x80, $0x38;
	[tilespmem:$0x4080] =	vst v63  }
0x4f: {  	s29 =	sadd.s32 $0x60, s14;
	s28 =	sor.u32 $0x1800, s15  }
0x50: {  	[hbm4b:s29+s3] =	stream.linear.scatter [tilespmem:s28], [sflag:$0x2], $0x80, $0x38;
	[tilespmem:$0x4080] =	vst v63  }
0x51: {  	s31 =	sadd.s32 $0x70, s14;
	s30 =	sor.u32 $0x1C00, s15  }
0x52: {  	[hbm4b:s31+s3] =	stream.linear.scatter [tilespmem:s30], [sflag:$0x2], $0x80, $0x38;
	[tilespmem:$0x4080] =	vst v63  }
0x53: {  	s18 =	sadd.s32 $0x80, s14;
	s17 =	sadd.s32 $0x200, s15  }
0x54: {  	[hbm4b:s18+s3] =	stream.linear.scatter [tilespmem:s17], [sflag:$0x2], $0x80, $0x38;
	[tilespmem:$0x4080] =	vst v63  }
0x55: {  	s19 =	sadd.s32 $0x600, s15;
	s20 =	sadd.s32 $0x90, s14  }
0x56: {  	[hbm4b:s20+s3] =	stream.linear.scatter [tilespmem:s19], [sflag:$0x2], $0x80, $0x38;
	[tilespmem:$0x4080] =	vst v63  }
0x57: {  	s21 =	sadd.s32 $0xA00, s15;
	s22 =	sadd.s32 $0xA0, s14  }
0x58: {  	[hbm4b:s22+s3] =	stream.linear.scatter [tilespmem:s21], [sflag:$0x2], $0x80, $0x38;
	[tilespmem:$0x4080] =	vst v63  }
0x59: {  	s23 =	sadd.s32 $0xE00, s15;
	s24 =	sadd.s32 $0xB0, s14  }
0x5a: {  	[hbm4b:s24+s3] =	stream.linear.scatter [tilespmem:s23], [sflag:$0x2], $0x80, $0x38;
	[tilespmem:$0x4080] =	vst v63  }
0x5b: {  	s25 =	sadd.s32 $0x1200, s15;
	s26 =	sadd.s32 $0xC0, s14  }
0x5c: {  	[hbm4b:s26+s3] =	stream.linear.scatter [tilespmem:s25], [sflag:$0x2], $0x80, $0x38;
	[tilespmem:$0x4080] =	vst v63  }
0x5d: {  	p1 =	por p0, p0;
	s28 =	sadd.s32 $0x1600, s15;
	s29 =	sadd.s32 $0xD0, s14  }
0x5e: {  	[hbm4b:s29+s3] =	stream.linear.scatter [tilespmem:s28], [sflag:$0x2], $0x80, $0x38;
	[tilespmem:$0x4080] =	vst v63  }
.Ltmp1:
0x5f: {  	s30 =	sadd.s32 $0x1A00, s15;
	s31 =	sadd.s32 $0xE0, s14;
	(pc) =	sbr.rel @p1 .LBB2_4-.Ltmp1, $4  }
0x60: {  	[hbm4b:s31+s3] =	stream.linear.scatter [tilespmem:s30], [sflag:$0x2], $0x80, $0x38;
	[tilespmem:$0x4080] =	vst v63  }
0x61: {  	s15 =	sadd.s32 $0x1E00, s15;
	s14 =	sadd.s32 $0xF0, s14  }
0x62: {  	[hbm4b:s14+s3] =	stream.linear.scatter [tilespmem:s15], [sflag:$0x2], $0x80, $0x38;
	[tilespmem:$0x4080] =	vst v63  }
0x63: {  	p0 =	por $0x0, $0x0;
	s14 =	simm.s32 $0x1  }
0x64: {  	s13 =	sadd.s32 $0x1, s13  }
0x65: {  	p0 =	sne.s32 s13, s10  }
.Ltmp2:
0x66: {  	_ = 	snop;
	(pc) =	sbr.rel @p0 .LBB2_1-.Ltmp2, $4  }
0x67: {  	_ = 	snop  }
0x68: {  	_ =	swait.ge [sflag:s11], $0x1000  }
0x69: {  	[sflag:s11] =	ssyncset.done $0x0  }
0x6a: {  	[sflag:s11] =	ssyncadd.s32 $0xFFFFF000  }
0x6b: {  	_ =	sfence.sel $0x180000  }
0x6c: {  	[bflag:$0x0] =	sbarrier.arrive $0xFFFF  }
0x6d: {  	p0 =	sne.s32 s0, $0x0;
	_ =	strace $0x90000047  }
0x6e: {  	s0 =	sadd.s32 @!p0 $0x100000, s1;
	[bflag:$0x2] =	sbarrier.arrive $0xFFFF  }
0x6f: {  	[sflag:s0] =	ssyncadd.tile.s32 @!p0 $0x1;
	_ =	shalt  }
.Lfunc_end2:
_tile_overlayer_lowered:
.L_overlay_start_2:
0x70: {  	(tag) =	ssettag $0x2  }
0x71: {  	s0 =	rddreg [dreg:$0x0];
	s2 =	stileid.u32  }
0x72: {  	s1 =	rddreg [dreg:$0x1];
	p0 =	sne.s32 s2, $0x0  }
0x73: {  	s3 =	rddreg [dreg:$0x2];
	[bflag:$0x3] =	sbarrier.arrive $0xFFFF;
	s2 =	simm.s32 @!p0 $0x1C02  }
0x74: {  	[timem:s3], [sflag:s2] =	dma.local @!p0 [hbm:s0], s1  }
0x75: {  	s0 =	simm.s32 @!p0 $0x2  }
0x76: {  	_ =	swait.ge @!p0 [sflag:s0], s1  }
0x77: {  	s1 =	ssub.s32 @!p0 $0x0, s1;
	[sflag:s0] =	ssyncset.done @!p0 $0x0  }
0x78: {  	[sflag:s0] =	ssyncadd.s32 @!p0 s1  }
0x79: {  	[bflag:$0x3] =	sbarrier.arrive $0xFFFF  }
0x7a: {  	_ =	shalt  }

</sc_bundles>
